<compile_context>
chip_gen: v7x
topology: tpu7x:2x2x1
jax: 0.10.2.dev20260603
libtpu: 0.0.44.dev20260713+nightly
codegen_flags: <defaults>
</compile_context>

<pallas_src>
import functools

import jax
import jax.numpy as jnp
from jax import lax
from jax.experimental import pallas as pl
from jax.experimental.pallas import tpu as pltpu
from jax.experimental.pallas import tpu_sc as plsc

QB = 32
LG = 128
ROW = 8
NWORK = 32
NQ = 1024
BIGF = 3.0e38


def _topk_body(xq_ref, xkT_ref, idx_ref, d2_ref):
    xq = xq_ref[...]
    xkT = xkT_ref[...]
    KP = xkT.shape[1]
    NG = KP // LG
    q2 = jnp.sum(xq * xq, axis=1, keepdims=True)
    k2 = jnp.sum(xkT * xkT, axis=0, keepdims=True)
    qk = lax.dot_general(
        xq, xkT, (((1,), (0,)), ((), ())),
        preferred_element_type=jnp.float32,
    )
    d2_ref[...] = q2 + k2 - 2.0 * qk

    def insert(g, st):
        s0, s1, s2, s3, s4, i0, i1, i2, i3, i4 = st
        x = d2_ref[:, pl.ds(pl.multiple_of(g * LG, LG), LG)]
        xi = g.astype(jnp.float32)
        s, i_ = [s0, s1, s2, s3, s4], [i0, i1, i2, i3, i4]
        for k in range(5):
            swap = x < s[k]
            ns = jnp.minimum(s[k], x)
            nx = jnp.maximum(s[k], x)
            nik = jnp.where(swap, xi, i_[k])
            nxi = jnp.where(swap, i_[k], xi)
            s[k], x, i_[k], xi = ns, nx, nik, nxi
        return tuple(s + i_)

    inf2 = jnp.full((QB, LG), jnp.inf, jnp.float32)
    zero2 = jnp.zeros((QB, LG), jnp.float32)
    st = lax.fori_loop(0, NG, insert,
                       (inf2, inf2, inf2, inf2, inf2,
                        zero2, zero2, zero2, zero2, zero2),
                       unroll=16)
    s, i_ = list(st[:5]), list(st[5:])

    lane_f = lax.broadcasted_iota(jnp.int32, (QB, LG), 1).astype(jnp.float32)
    ci = []
    for t in range(5):
        m = jnp.min(s[0], axis=1, keepdims=True)
        gl = i_[0] * float(LG) + lane_f
        cand = jnp.where(s[0] == m, gl, BIGF)
        gsel = jnp.min(cand, axis=1, keepdims=True)
        ci.append(gsel)
        if t < 4:
            pop = cand == gsel
            for k in range(4):
                s[k] = jnp.where(pop, s[k + 1], s[k])
                i_[k] = jnp.where(pop, i_[k + 1], i_[k])
            s[4] = jnp.where(pop, jnp.inf, s[4])

    idx_ref[...] = jnp.concatenate(
        ci + [jnp.zeros((QB, 3), jnp.float32)], axis=1).astype(jnp.int32)


def _topk_indices(X_test, XT):
    Q, D = X_test.shape
    KP = XT.shape[1]
    return pl.pallas_call(
        _topk_body,
        grid=(Q // QB,),
        in_specs=[
            pl.BlockSpec((QB, D), lambda i: (i, 0)),
            pl.BlockSpec((D, KP), lambda i: (0, 0)),
        ],
        out_specs=pl.BlockSpec((QB, ROW), lambda i: (i, 0)),
        out_shape=jax.ShapeDtypeStruct((Q, ROW), jnp.int32),
        scratch_shapes=[pltpu.VMEM((QB, KP), jnp.float32)],
    )(X_test, XT)


QPW = NQ // NWORK
NSEL = 5


def _sc_body(idx_hbm, y_hbm, out_hbm, idx_v, yv, pv, sem):
    c = lax.axis_index("c")
    s = lax.axis_index("s")
    w = s * 2 + c
    base = w * QPW
    for t in range(NSEL):
        pltpu.sync_copy(idx_hbm.at[pl.ds(t * NQ + base, QPW)],
                        idx_v.at[pl.ds(t * QPW, QPW)])
    for t in range(NSEL):
        pltpu.async_copy(
            y_hbm.at[idx_v.at[pl.ds(t * QPW, QPW)]],
            yv.at[pl.ds(t * QPW, QPW)], sem).wait()
    for h in range(QPW // 16):
        acc = jnp.zeros((16,), jnp.float32)
        for t in range(NSEL):
            acc = acc + yv[pl.ds(t * QPW + h * 16, 16)]
        pv[pl.ds(h * 16, 16)] = acc * 0.2
    pltpu.sync_copy(pv, out_hbm.at[pl.ds(base, QPW)])


@functools.cache
def _sc_gather_mean():
    return pl.kernel(
        _sc_body,
        out_type=jax.ShapeDtypeStruct((NQ,), jnp.float32),
        mesh=plsc.VectorSubcoreMesh(core_axis_name="c", subcore_axis_name="s"),
        scratch_types=[
            pltpu.VMEM((NSEL * QPW,), jnp.int32),
            pltpu.VMEM((NSEL * QPW,), jnp.float32),
            pltpu.VMEM((QPW,), jnp.float32),
            pltpu.SemaphoreType.DMA,
        ],
    )


def kernel(X_test, X_train, y_train):
    Q, D = X_test.shape
    K = X_train.shape[0]
    KP = ((K + LG - 1) // LG) * LG
    pad = KP - K
    Xp = jnp.concatenate(
        [X_train, jnp.full((pad, D), 1e18, jnp.float32)], axis=0)
    idx = _topk_indices(X_test, Xp.T)
    idx_t = idx[:, :NSEL].T.reshape(NSEL * Q)
    preds = _sc_gather_mean()(idx_t, y_train)
    return preds

# --- scband reference (transcript-rebuilt; emitter-appended) ---
"""Pipeline reference for scband-knn-32409823216301 (READ-ONLY COPY).

The authoritative reference and input builder live on the scoring server;
editing this copy changes nothing except your own understanding.
"""

import jax, jax.numpy as jnp
import numpy as np

N_NEIGHBORS = 5

def setup_inputs(seed: int = 0) -> dict:
    key = jax.random.key(seed)
    k1, k2, k3 = jax.random.split(key, 3)
    X_test = jax.random.normal(k1, (1024, 16), dtype=jnp.float32)
    X_train = jax.random.normal(k2, (100000, 16), dtype=jnp.float32)
    y_train = jax.random.normal(k3, (100000,), dtype=jnp.float32)
    return {"X_test": X_test, "X_train": X_train, "y_train": y_train}

def reference(X_test, X_train, y_train):
    # KNeighborsRegressor(n_neighbors=5, weights='uniform').predict(X_test)
    # Squared euclidean distances: ||q||^2 + ||k||^2 - 2 q.k
    q2 = jnp.sum(X_test * X_test, axis=1, keepdims=True)          # [Q, 1]
    k2 = jnp.sum(X_train * X_train, axis=1)                        # [K]
    d2 = q2 + k2[None, :] - 2.0 * (X_test @ X_train.T)             # [Q, K]
    # nearest = largest negative distance
    _, idx = jax.lax.top_k(-d2, N_NEIGHBORS)                       # [Q, 5]
    neigh_y = jnp.take(y_train, idx, axis=0)                       # [Q, 5] gather
    preds = jnp.mean(neigh_y, axis=1)                              # uniform-weight kNN regression
    return preds

if __name__ == "__main__":
    import jax
    _d = setup_inputs()
    print(jax.jit(kernel)(*tuple(_d.values())))

</pallas_src>

<mosaic_0001>
#map = affine_map<(d0, d1) -> (0)>
module attributes {stable_mosaic.version = 14 : i64} {
  func.func @_sc_body(%arg0: i32, %arg1: i32, %arg2: memref<5120xi32, #tpu.memory_space<hbm>>, %arg3: memref<100000xf32, #tpu.memory_space<hbm>>, %arg4: memref<1024xf32, #tpu.memory_space<hbm>>, %arg5: memref<160xi32, #tpu.memory_space<vmem>>, %arg6: memref<160xf32, #tpu.memory_space<vmem>>, %arg7: memref<32xf32, #tpu.memory_space<vmem>>, %arg8: memref<!tpu.dma_semaphore, #tpu.memory_space<semaphore_mem>>) attributes {dimension_semantics = [#tpu.dimension_semantics<core_parallel>, #tpu.dimension_semantics<subcore_parallel>], iteration_bounds = array<i64: 2, 16>, scalar_prefetch = 0 : i64, scratch_operands = 4 : i64, tpu.core_type = #tpu.core_type<sc_vector_subcore>, window_params = [{transform_indices = #map}, {transform_indices = #map}, {transform_indices = #map}]} {
    %mul3A = arith.constant 2 : i32
    %mul3A_0 = arith.muli %arg1, %mul3A : i32
    %add3A = arith.addi %mul3A_0, %arg0 : i32
    %mul3A_1 = arith.constant 32 : i32
    %mul3A_2 = arith.muli %add3A, %mul3A_1 : i32
    %add3A_3 = arith.constant 0 : i32
    %add3A_4 = arith.addi %add3A_3, %mul3A_2 : i32
    "tpu.region"() ({
      %run_scoped3A = tpu.sem_alloc : memref<!tpu.dma_semaphore, #tpu.memory_space<semaphore_mem>>
      %dma_start3A_126 = arith.constant 0 : i32
      %dma_start3A_127 = tpu.memref_slice %arg5[%dma_start3A_126] : memref<160xi32, #tpu.memory_space<vmem>> -> memref<32xi32, #tpu.memory_space<vmem>>
      %dma_start3A_128 = tpu.memref_slice %arg2[%add3A_4] : memref<5120xi32, #tpu.memory_space<hbm>> -> memref<32xi32, #tpu.memory_space<hbm>>
      %dma_start3A_129 = arith.constant 0 : i32
      %dma_start3A_130 = tpu.memref_slice %arg5[%dma_start3A_129] : memref<160xi32, #tpu.memory_space<vmem>> -> memref<32xi32, #tpu.memory_space<vmem>>
      %dma_start3A_131 = tpu.memref_slice %arg2[%add3A_4] : memref<5120xi32, #tpu.memory_space<hbm>> -> memref<32xi32, #tpu.memory_space<hbm>>
      tpu.enqueue_dma source(%dma_start3A_131 : memref<32xi32, #tpu.memory_space<hbm>>) target(%dma_start3A_130 : memref<32xi32, #tpu.memory_space<vmem>>) target_semaphore(%run_scoped3A : memref<!tpu.dma_semaphore, #tpu.memory_space<semaphore_mem>>)
      %dma_wait3A_132 = arith.constant 0 : i32
      %dma_wait3A_133 = tpu.memref_slice %arg5[%dma_wait3A_132] : memref<160xi32, #tpu.memory_space<vmem>> -> memref<32xi32, #tpu.memory_space<vmem>>
      %dma_wait3A_134 = tpu.memref_slice %arg2[%add3A_4] : memref<5120xi32, #tpu.memory_space<hbm>> -> memref<32xi32, #tpu.memory_space<hbm>>
      %dma_wait3A_135 = arith.constant 0 : i32
      %dma_wait3A_136 = tpu.memref_slice %arg5[%dma_wait3A_135] : memref<160xi32, #tpu.memory_space<vmem>> -> memref<32xi32, #tpu.memory_space<vmem>>
      %dma_wait3A_137 = tpu.memref_slice %arg2[%add3A_4] : memref<5120xi32, #tpu.memory_space<hbm>> -> memref<32xi32, #tpu.memory_space<hbm>>
      tpu.wait_dma2 semaphore(%run_scoped3A : memref<!tpu.dma_semaphore, #tpu.memory_space<semaphore_mem>>) src(%dma_wait3A_137 : memref<32xi32, #tpu.memory_space<hbm>>) dst(%dma_wait3A_136 : memref<32xi32, #tpu.memory_space<vmem>>)
      tpu.yield
    }) : () -> ()
    %add3A_5 = arith.constant 1024 : i32
    %add3A_6 = arith.addi %add3A_5, %mul3A_2 : i32
    "tpu.region"() ({
      %run_scoped3A = tpu.sem_alloc : memref<!tpu.dma_semaphore, #tpu.memory_space<semaphore_mem>>
      %dma_start3A_126 = arith.constant 32 : i32
      %dma_start3A_127 = tpu.memref_slice %arg5[%dma_start3A_126] : memref<160xi32, #tpu.memory_space<vmem>> -> memref<32xi32, #tpu.memory_space<vmem>>
      %dma_start3A_128 = tpu.memref_slice %arg2[%add3A_6] : memref<5120xi32, #tpu.memory_space<hbm>> -> memref<32xi32, #tpu.memory_space<hbm>>
      %dma_start3A_129 = arith.constant 32 : i32
      %dma_start3A_130 = tpu.memref_slice %arg5[%dma_start3A_129] : memref<160xi32, #tpu.memory_space<vmem>> -> memref<32xi32, #tpu.memory_space<vmem>>
      %dma_start3A_131 = tpu.memref_slice %arg2[%add3A_6] : memref<5120xi32, #tpu.memory_space<hbm>> -> memref<32xi32, #tpu.memory_space<hbm>>
      tpu.enqueue_dma source(%dma_start3A_131 : memref<32xi32, #tpu.memory_space<hbm>>) target(%dma_start3A_130 : memref<32xi32, #tpu.memory_space<vmem>>) target_semaphore(%run_scoped3A : memref<!tpu.dma_semaphore, #tpu.memory_space<semaphore_mem>>)
      %dma_wait3A_132 = arith.constant 32 : i32
      %dma_wait3A_133 = tpu.memref_slice %arg5[%dma_wait3A_132] : memref<160xi32, #tpu.memory_space<vmem>> -> memref<32xi32, #tpu.memory_space<vmem>>
      %dma_wait3A_134 = tpu.memref_slice %arg2[%add3A_6] : memref<5120xi32, #tpu.memory_space<hbm>> -> memref<32xi32, #tpu.memory_space<hbm>>
      %dma_wait3A_135 = arith.constant 32 : i32
      %dma_wait3A_136 = tpu.memref_slice %arg5[%dma_wait3A_135] : memref<160xi32, #tpu.memory_space<vmem>> -> memref<32xi32, #tpu.memory_space<vmem>>
      %dma_wait3A_137 = tpu.memref_slice %arg2[%add3A_6] : memref<5120xi32, #tpu.memory_space<hbm>> -> memref<32xi32, #tpu.memory_space<hbm>>
      tpu.wait_dma2 semaphore(%run_scoped3A : memref<!tpu.dma_semaphore, #tpu.memory_space<semaphore_mem>>) src(%dma_wait3A_137 : memref<32xi32, #tpu.memory_space<hbm>>) dst(%dma_wait3A_136 : memref<32xi32, #tpu.memory_space<vmem>>)
      tpu.yield
    }) : () -> ()
    %add3A_7 = arith.constant 2048 : i32
    %add3A_8 = arith.addi %add3A_7, %mul3A_2 : i32
    "tpu.region"() ({
      %run_scoped3A = tpu.sem_alloc : memref<!tpu.dma_semaphore, #tpu.memory_space<semaphore_mem>>
      %dma_start3A_126 = arith.constant 64 : i32
      %dma_start3A_127 = tpu.memref_slice %arg5[%dma_start3A_126] : memref<160xi32, #tpu.memory_space<vmem>> -> memref<32xi32, #tpu.memory_space<vmem>>
      %dma_start3A_128 = tpu.memref_slice %arg2[%add3A_8] : memref<5120xi32, #tpu.memory_space<hbm>> -> memref<32xi32, #tpu.memory_space<hbm>>
      %dma_start3A_129 = arith.constant 64 : i32
      %dma_start3A_130 = tpu.memref_slice %arg5[%dma_start3A_129] : memref<160xi32, #tpu.memory_space<vmem>> -> memref<32xi32, #tpu.memory_space<vmem>>
      %dma_start3A_131 = tpu.memref_slice %arg2[%add3A_8] : memref<5120xi32, #tpu.memory_space<hbm>> -> memref<32xi32, #tpu.memory_space<hbm>>
      tpu.enqueue_dma source(%dma_start3A_131 : memref<32xi32, #tpu.memory_space<hbm>>) target(%dma_start3A_130 : memref<32xi32, #tpu.memory_space<vmem>>) target_semaphore(%run_scoped3A : memref<!tpu.dma_semaphore, #tpu.memory_space<semaphore_mem>>)
      %dma_wait3A_132 = arith.constant 64 : i32
      %dma_wait3A_133 = tpu.memref_slice %arg5[%dma_wait3A_132] : memref<160xi32, #tpu.memory_space<vmem>> -> memref<32xi32, #tpu.memory_space<vmem>>
      %dma_wait3A_134 = tpu.memref_slice %arg2[%add3A_8] : memref<5120xi32, #tpu.memory_space<hbm>> -> memref<32xi32, #tpu.memory_space<hbm>>
      %dma_wait3A_135 = arith.constant 64 : i32
      %dma_wait3A_136 = tpu.memref_slice %arg5[%dma_wait3A_135] : memref<160xi32, #tpu.memory_space<vmem>> -> memref<32xi32, #tpu.memory_space<vmem>>
      %dma_wait3A_137 = tpu.memref_slice %arg2[%add3A_8] : memref<5120xi32, #tpu.memory_space<hbm>> -> memref<32xi32, #tpu.memory_space<hbm>>
      tpu.wait_dma2 semaphore(%run_scoped3A : memref<!tpu.dma_semaphore, #tpu.memory_space<semaphore_mem>>) src(%dma_wait3A_137 : memref<32xi32, #tpu.memory_space<hbm>>) dst(%dma_wait3A_136 : memref<32xi32, #tpu.memory_space<vmem>>)
      tpu.yield
    }) : () -> ()
    %add3A_9 = arith.constant 3072 : i32
    %add3A_10 = arith.addi %add3A_9, %mul3A_2 : i32
    "tpu.region"() ({
      %run_scoped3A = tpu.sem_alloc : memref<!tpu.dma_semaphore, #tpu.memory_space<semaphore_mem>>
      %dma_start3A_126 = arith.constant 96 : i32
      %dma_start3A_127 = tpu.memref_slice %arg5[%dma_start3A_126] : memref<160xi32, #tpu.memory_space<vmem>> -> memref<32xi32, #tpu.memory_space<vmem>>
      %dma_start3A_128 = tpu.memref_slice %arg2[%add3A_10] : memref<5120xi32, #tpu.memory_space<hbm>> -> memref<32xi32, #tpu.memory_space<hbm>>
      %dma_start3A_129 = arith.constant 96 : i32
      %dma_start3A_130 = tpu.memref_slice %arg5[%dma_start3A_129] : memref<160xi32, #tpu.memory_space<vmem>> -> memref<32xi32, #tpu.memory_space<vmem>>
      %dma_start3A_131 = tpu.memref_slice %arg2[%add3A_10] : memref<5120xi32, #tpu.memory_space<hbm>> -> memref<32xi32, #tpu.memory_space<hbm>>
      tpu.enqueue_dma source(%dma_start3A_131 : memref<32xi32, #tpu.memory_space<hbm>>) target(%dma_start3A_130 : memref<32xi32, #tpu.memory_space<vmem>>) target_semaphore(%run_scoped3A : memref<!tpu.dma_semaphore, #tpu.memory_space<semaphore_mem>>)
      %dma_wait3A_132 = arith.constant 96 : i32
      %dma_wait3A_133 = tpu.memref_slice %arg5[%dma_wait3A_132] : memref<160xi32, #tpu.memory_space<vmem>> -> memref<32xi32, #tpu.memory_space<vmem>>
      %dma_wait3A_134 = tpu.memref_slice %arg2[%add3A_10] : memref<5120xi32, #tpu.memory_space<hbm>> -> memref<32xi32, #tpu.memory_space<hbm>>
      %dma_wait3A_135 = arith.constant 96 : i32
      %dma_wait3A_136 = tpu.memref_slice %arg5[%dma_wait3A_135] : memref<160xi32, #tpu.memory_space<vmem>> -> memref<32xi32, #tpu.memory_space<vmem>>
      %dma_wait3A_137 = tpu.memref_slice %arg2[%add3A_10] : memref<5120xi32, #tpu.memory_space<hbm>> -> memref<32xi32, #tpu.memory_space<hbm>>
      tpu.wait_dma2 semaphore(%run_scoped3A : memref<!tpu.dma_semaphore, #tpu.memory_space<semaphore_mem>>) src(%dma_wait3A_137 : memref<32xi32, #tpu.memory_space<hbm>>) dst(%dma_wait3A_136 : memref<32xi32, #tpu.memory_space<vmem>>)
      tpu.yield
    }) : () -> ()
    %add3A_11 = arith.constant 4096 : i32
    %add3A_12 = arith.addi %add3A_11, %mul3A_2 : i32
    "tpu.region"() ({
      %run_scoped3A = tpu.sem_alloc : memref<!tpu.dma_semaphore, #tpu.memory_space<semaphore_mem>>
      %dma_start3A_126 = arith.constant 128 : i32
      %dma_start3A_127 = tpu.memref_slice %arg5[%dma_start3A_126] : memref<160xi32, #tpu.memory_space<vmem>> -> memref<32xi32, #tpu.memory_space<vmem>>
      %dma_start3A_128 = tpu.memref_slice %arg2[%add3A_12] : memref<5120xi32, #tpu.memory_space<hbm>> -> memref<32xi32, #tpu.memory_space<hbm>>
      %dma_start3A_129 = arith.constant 128 : i32
      %dma_start3A_130 = tpu.memref_slice %arg5[%dma_start3A_129] : memref<160xi32, #tpu.memory_space<vmem>> -> memref<32xi32, #tpu.memory_space<vmem>>
      %dma_start3A_131 = tpu.memref_slice %arg2[%add3A_12] : memref<5120xi32, #tpu.memory_space<hbm>> -> memref<32xi32, #tpu.memory_space<hbm>>
      tpu.enqueue_dma source(%dma_start3A_131 : memref<32xi32, #tpu.memory_space<hbm>>) target(%dma_start3A_130 : memref<32xi32, #tpu.memory_space<vmem>>) target_semaphore(%run_scoped3A : memref<!tpu.dma_semaphore, #tpu.memory_space<semaphore_mem>>)
      %dma_wait3A_132 = arith.constant 128 : i32
      %dma_wait3A_133 = tpu.memref_slice %arg5[%dma_wait3A_132] : memref<160xi32, #tpu.memory_space<vmem>> -> memref<32xi32, #tpu.memory_space<vmem>>
      %dma_wait3A_134 = tpu.memref_slice %arg2[%add3A_12] : memref<5120xi32, #tpu.memory_space<hbm>> -> memref<32xi32, #tpu.memory_space<hbm>>
      %dma_wait3A_135 = arith.constant 128 : i32
      %dma_wait3A_136 = tpu.memref_slice %arg5[%dma_wait3A_135] : memref<160xi32, #tpu.memory_space<vmem>> -> memref<32xi32, #tpu.memory_space<vmem>>
      %dma_wait3A_137 = tpu.memref_slice %arg2[%add3A_12] : memref<5120xi32, #tpu.memory_space<hbm>> -> memref<32xi32, #tpu.memory_space<hbm>>
      tpu.wait_dma2 semaphore(%run_scoped3A : memref<!tpu.dma_semaphore, #tpu.memory_space<semaphore_mem>>) src(%dma_wait3A_137 : memref<32xi32, #tpu.memory_space<hbm>>) dst(%dma_wait3A_136 : memref<32xi32, #tpu.memory_space<vmem>>)
      tpu.yield
    }) : () -> ()
    %dma_start3A = arith.constant 0 : i32
    %dma_start3A_13 = tpu.memref_slice %arg6[%dma_start3A] : memref<160xf32, #tpu.memory_space<vmem>> -> memref<32xf32, #tpu.memory_space<vmem>>
    %dma_start3A_14 = arith.constant 0 : i32
    %dma_start3A_15 = tpu.memref_slice %arg5[%dma_start3A_14] : memref<160xi32, #tpu.memory_space<vmem>> -> memref<32xi32, #tpu.memory_space<vmem>>
    %dma_start3A_16 = arith.constant 0 : i32
    %dma_start3A_17 = tpu.memref_slice %arg3[%dma_start3A_16] : memref<100000xf32, #tpu.memory_space<hbm>> -> memref<100000xf32, #tpu.memory_space<hbm>>
    tpu.enqueue_indirect_dma source(%dma_start3A_17 : memref<100000xf32, #tpu.memory_space<hbm>>) target(%dma_start3A_13 : memref<32xf32, #tpu.memory_space<vmem>>) offsets(%dma_start3A_15 : memref<32xi32, #tpu.memory_space<vmem>>) semaphore(%arg8 : memref<!tpu.dma_semaphore, #tpu.memory_space<semaphore_mem>>)
    %dma_wait3A = arith.constant 0 : i32
    %dma_wait3A_18 = tpu.memref_slice %arg6[%dma_wait3A] : memref<160xf32, #tpu.memory_space<vmem>> -> memref<32xf32, #tpu.memory_space<vmem>>
    %dma_wait3A_19 = arith.constant 0 : i32
    %dma_wait3A_20 = tpu.memref_slice %arg5[%dma_wait3A_19] : memref<160xi32, #tpu.memory_space<vmem>> -> memref<32xi32, #tpu.memory_space<vmem>>
    %dma_wait3A_21 = arith.constant 0 : i32
    %dma_wait3A_22 = tpu.memref_slice %arg3[%dma_wait3A_21] : memref<100000xf32, #tpu.memory_space<hbm>> -> memref<100000xf32, #tpu.memory_space<hbm>>
    tpu.wait_indirect_dma semaphore(%arg8 : memref<!tpu.dma_semaphore, #tpu.memory_space<semaphore_mem>>) src(%dma_wait3A_22 : memref<100000xf32, #tpu.memory_space<hbm>>) dst(%dma_wait3A_18 : memref<32xf32, #tpu.memory_space<vmem>>)
    %dma_start3A_23 = arith.constant 32 : i32
    %dma_start3A_24 = tpu.memref_slice %arg6[%dma_start3A_23] : memref<160xf32, #tpu.memory_space<vmem>> -> memref<32xf32, #tpu.memory_space<vmem>>
    %dma_start3A_25 = arith.constant 32 : i32
    %dma_start3A_26 = tpu.memref_slice %arg5[%dma_start3A_25] : memref<160xi32, #tpu.memory_space<vmem>> -> memref<32xi32, #tpu.memory_space<vmem>>
    %dma_start3A_27 = arith.constant 0 : i32
    %dma_start3A_28 = tpu.memref_slice %arg3[%dma_start3A_27] : memref<100000xf32, #tpu.memory_space<hbm>> -> memref<100000xf32, #tpu.memory_space<hbm>>
    tpu.enqueue_indirect_dma source(%dma_start3A_28 : memref<100000xf32, #tpu.memory_space<hbm>>) target(%dma_start3A_24 : memref<32xf32, #tpu.memory_space<vmem>>) offsets(%dma_start3A_26 : memref<32xi32, #tpu.memory_space<vmem>>) semaphore(%arg8 : memref<!tpu.dma_semaphore, #tpu.memory_space<semaphore_mem>>)
    %dma_wait3A_29 = arith.constant 32 : i32
    %dma_wait3A_30 = tpu.memref_slice %arg6[%dma_wait3A_29] : memref<160xf32, #tpu.memory_space<vmem>> -> memref<32xf32, #tpu.memory_space<vmem>>
    %dma_wait3A_31 = arith.constant 32 : i32
    %dma_wait3A_32 = tpu.memref_slice %arg5[%dma_wait3A_31] : memref<160xi32, #tpu.memory_space<vmem>> -> memref<32xi32, #tpu.memory_space<vmem>>
    %dma_wait3A_33 = arith.constant 0 : i32
    %dma_wait3A_34 = tpu.memref_slice %arg3[%dma_wait3A_33] : memref<100000xf32, #tpu.memory_space<hbm>> -> memref<100000xf32, #tpu.memory_space<hbm>>
    tpu.wait_indirect_dma semaphore(%arg8 : memref<!tpu.dma_semaphore, #tpu.memory_space<semaphore_mem>>) src(%dma_wait3A_34 : memref<100000xf32, #tpu.memory_space<hbm>>) dst(%dma_wait3A_30 : memref<32xf32, #tpu.memory_space<vmem>>)
    %dma_start3A_35 = arith.constant 64 : i32
    %dma_start3A_36 = tpu.memref_slice %arg6[%dma_start3A_35] : memref<160xf32, #tpu.memory_space<vmem>> -> memref<32xf32, #tpu.memory_space<vmem>>
    %dma_start3A_37 = arith.constant 64 : i32
    %dma_start3A_38 = tpu.memref_slice %arg5[%dma_start3A_37] : memref<160xi32, #tpu.memory_space<vmem>> -> memref<32xi32, #tpu.memory_space<vmem>>
    %dma_start3A_39 = arith.constant 0 : i32
    %dma_start3A_40 = tpu.memref_slice %arg3[%dma_start3A_39] : memref<100000xf32, #tpu.memory_space<hbm>> -> memref<100000xf32, #tpu.memory_space<hbm>>
    tpu.enqueue_indirect_dma source(%dma_start3A_40 : memref<100000xf32, #tpu.memory_space<hbm>>) target(%dma_start3A_36 : memref<32xf32, #tpu.memory_space<vmem>>) offsets(%dma_start3A_38 : memref<32xi32, #tpu.memory_space<vmem>>) semaphore(%arg8 : memref<!tpu.dma_semaphore, #tpu.memory_space<semaphore_mem>>)
    %dma_wait3A_41 = arith.constant 64 : i32
    %dma_wait3A_42 = tpu.memref_slice %arg6[%dma_wait3A_41] : memref<160xf32, #tpu.memory_space<vmem>> -> memref<32xf32, #tpu.memory_space<vmem>>
    %dma_wait3A_43 = arith.constant 64 : i32
    %dma_wait3A_44 = tpu.memref_slice %arg5[%dma_wait3A_43] : memref<160xi32, #tpu.memory_space<vmem>> -> memref<32xi32, #tpu.memory_space<vmem>>
    %dma_wait3A_45 = arith.constant 0 : i32
    %dma_wait3A_46 = tpu.memref_slice %arg3[%dma_wait3A_45] : memref<100000xf32, #tpu.memory_space<hbm>> -> memref<100000xf32, #tpu.memory_space<hbm>>
    tpu.wait_indirect_dma semaphore(%arg8 : memref<!tpu.dma_semaphore, #tpu.memory_space<semaphore_mem>>) src(%dma_wait3A_46 : memref<100000xf32, #tpu.memory_space<hbm>>) dst(%dma_wait3A_42 : memref<32xf32, #tpu.memory_space<vmem>>)
    %dma_start3A_47 = arith.constant 96 : i32
    %dma_start3A_48 = tpu.memref_slice %arg6[%dma_start3A_47] : memref<160xf32, #tpu.memory_space<vmem>> -> memref<32xf32, #tpu.memory_space<vmem>>
    %dma_start3A_49 = arith.constant 96 : i32
    %dma_start3A_50 = tpu.memref_slice %arg5[%dma_start3A_49] : memref<160xi32, #tpu.memory_space<vmem>> -> memref<32xi32, #tpu.memory_space<vmem>>
    %dma_start3A_51 = arith.constant 0 : i32
    %dma_start3A_52 = tpu.memref_slice %arg3[%dma_start3A_51] : memref<100000xf32, #tpu.memory_space<hbm>> -> memref<100000xf32, #tpu.memory_space<hbm>>
    tpu.enqueue_indirect_dma source(%dma_start3A_52 : memref<100000xf32, #tpu.memory_space<hbm>>) target(%dma_start3A_48 : memref<32xf32, #tpu.memory_space<vmem>>) offsets(%dma_start3A_50 : memref<32xi32, #tpu.memory_space<vmem>>) semaphore(%arg8 : memref<!tpu.dma_semaphore, #tpu.memory_space<semaphore_mem>>)
    %dma_wait3A_53 = arith.constant 96 : i32
    %dma_wait3A_54 = tpu.memref_slice %arg6[%dma_wait3A_53] : memref<160xf32, #tpu.memory_space<vmem>> -> memref<32xf32, #tpu.memory_space<vmem>>
    %dma_wait3A_55 = arith.constant 96 : i32
    %dma_wait3A_56 = tpu.memref_slice %arg5[%dma_wait3A_55] : memref<160xi32, #tpu.memory_space<vmem>> -> memref<32xi32, #tpu.memory_space<vmem>>
    %dma_wait3A_57 = arith.constant 0 : i32
    %dma_wait3A_58 = tpu.memref_slice %arg3[%dma_wait3A_57] : memref<100000xf32, #tpu.memory_space<hbm>> -> memref<100000xf32, #tpu.memory_space<hbm>>
    tpu.wait_indirect_dma semaphore(%arg8 : memref<!tpu.dma_semaphore, #tpu.memory_space<semaphore_mem>>) src(%dma_wait3A_58 : memref<100000xf32, #tpu.memory_space<hbm>>) dst(%dma_wait3A_54 : memref<32xf32, #tpu.memory_space<vmem>>)
    %dma_start3A_59 = arith.constant 128 : i32
    %dma_start3A_60 = tpu.memref_slice %arg6[%dma_start3A_59] : memref<160xf32, #tpu.memory_space<vmem>> -> memref<32xf32, #tpu.memory_space<vmem>>
    %dma_start3A_61 = arith.constant 128 : i32
    %dma_start3A_62 = tpu.memref_slice %arg5[%dma_start3A_61] : memref<160xi32, #tpu.memory_space<vmem>> -> memref<32xi32, #tpu.memory_space<vmem>>
    %dma_start3A_63 = arith.constant 0 : i32
    %dma_start3A_64 = tpu.memref_slice %arg3[%dma_start3A_63] : memref<100000xf32, #tpu.memory_space<hbm>> -> memref<100000xf32, #tpu.memory_space<hbm>>
    tpu.enqueue_indirect_dma source(%dma_start3A_64 : memref<100000xf32, #tpu.memory_space<hbm>>) target(%dma_start3A_60 : memref<32xf32, #tpu.memory_space<vmem>>) offsets(%dma_start3A_62 : memref<32xi32, #tpu.memory_space<vmem>>) semaphore(%arg8 : memref<!tpu.dma_semaphore, #tpu.memory_space<semaphore_mem>>)
    %dma_wait3A_65 = arith.constant 128 : i32
    %dma_wait3A_66 = tpu.memref_slice %arg6[%dma_wait3A_65] : memref<160xf32, #tpu.memory_space<vmem>> -> memref<32xf32, #tpu.memory_space<vmem>>
    %dma_wait3A_67 = arith.constant 128 : i32
    %dma_wait3A_68 = tpu.memref_slice %arg5[%dma_wait3A_67] : memref<160xi32, #tpu.memory_space<vmem>> -> memref<32xi32, #tpu.memory_space<vmem>>
    %dma_wait3A_69 = arith.constant 0 : i32
    %dma_wait3A_70 = tpu.memref_slice %arg3[%dma_wait3A_69] : memref<100000xf32, #tpu.memory_space<hbm>> -> memref<100000xf32, #tpu.memory_space<hbm>>
    tpu.wait_indirect_dma semaphore(%arg8 : memref<!tpu.dma_semaphore, #tpu.memory_space<semaphore_mem>>) src(%dma_wait3A_70 : memref<100000xf32, #tpu.memory_space<hbm>>) dst(%dma_wait3A_66 : memref<32xf32, #tpu.memory_space<vmem>>)
    %broadcast_in_dim3A = arith.constant 0.000000e+00 : f32
    %broadcast_in_dim3A_71 = vector.broadcast %broadcast_in_dim3A : f32 to vector<16xf32>
    %get3A = arith.constant 0 : index
    %get3A_72 = tpu.vector_load %arg6[%get3A] {strides = array<i32>} : memref<160xf32, #tpu.memory_space<vmem>>, vector<16xf32>,
    %get3A_73 = vector.shape_cast %get3A_72 : vector<16xf32> to vector<16xf32>
    %add3A_74 = arith.addf %broadcast_in_dim3A_71, %get3A_73 : vector<16xf32>
    %get3A_75 = arith.constant 32 : index
    %get3A_76 = tpu.vector_load %arg6[%get3A_75] {strides = array<i32>} : memref<160xf32, #tpu.memory_space<vmem>>, vector<16xf32>,
    %get3A_77 = vector.shape_cast %get3A_76 : vector<16xf32> to vector<16xf32>
    %add3A_78 = arith.addf %add3A_74, %get3A_77 : vector<16xf32>
    %get3A_79 = arith.constant 64 : index
    %get3A_80 = tpu.vector_load %arg6[%get3A_79] {strides = array<i32>} : memref<160xf32, #tpu.memory_space<vmem>>, vector<16xf32>,
    %get3A_81 = vector.shape_cast %get3A_80 : vector<16xf32> to vector<16xf32>
    %add3A_82 = arith.addf %add3A_78, %get3A_81 : vector<16xf32>
    %get3A_83 = arith.constant 96 : index
    %get3A_84 = tpu.vector_load %arg6[%get3A_83] {strides = array<i32>} : memref<160xf32, #tpu.memory_space<vmem>>, vector<16xf32>,
    %get3A_85 = vector.shape_cast %get3A_84 : vector<16xf32> to vector<16xf32>
    %add3A_86 = arith.addf %add3A_82, %get3A_85 : vector<16xf32>
    %get3A_87 = arith.constant 128 : index
    %get3A_88 = tpu.vector_load %arg6[%get3A_87] {strides = array<i32>} : memref<160xf32, #tpu.memory_space<vmem>>, vector<16xf32>,
    %get3A_89 = vector.shape_cast %get3A_88 : vector<16xf32> to vector<16xf32>
    %add3A_90 = arith.addf %add3A_86, %get3A_89 : vector<16xf32>
    %mul3A_91 = arith.constant 2.000000e-01 : f32
    %mul3A_92 = vector.broadcast %mul3A_91 : f32 to vector<16xf32>
    %mul3A_93 = arith.mulf %add3A_90, %mul3A_92 : vector<16xf32>
    %swap3A = arith.constant 0 : index
    %swap3A_94 = tpu.vector_load %arg7[%swap3A] {strides = array<i32>} : memref<32xf32, #tpu.memory_space<vmem>>, vector<16xf32>,
    %swap3A_95 = vector.shape_cast %swap3A_94 : vector<16xf32> to vector<16xf32>
    %swap3A_96 = vector.shape_cast %mul3A_93 : vector<16xf32> to vector<16xf32>
    tpu.vector_store %arg7[%swap3A], %swap3A_96 {strides = array<i32>} : memref<32xf32, #tpu.memory_space<vmem>>, vector<16xf32>,
    %broadcast_in_dim3A_97 = arith.constant 0.000000e+00 : f32
    %broadcast_in_dim3A_98 = vector.broadcast %broadcast_in_dim3A_97 : f32 to vector<16xf32>
    %get3A_99 = arith.constant 16 : index
    %get3A_100 = tpu.vector_load %arg6[%get3A_99] {strides = array<i32>} : memref<160xf32, #tpu.memory_space<vmem>>, vector<16xf32>,
    %get3A_101 = vector.shape_cast %get3A_100 : vector<16xf32> to vector<16xf32>
    %add3A_102 = arith.addf %broadcast_in_dim3A_98, %get3A_101 : vector<16xf32>
    %get3A_103 = arith.constant 48 : index
    %get3A_104 = tpu.vector_load %arg6[%get3A_103] {strides = array<i32>} : memref<160xf32, #tpu.memory_space<vmem>>, vector<16xf32>,
    %get3A_105 = vector.shape_cast %get3A_104 : vector<16xf32> to vector<16xf32>
    %add3A_106 = arith.addf %add3A_102, %get3A_105 : vector<16xf32>
    %get3A_107 = arith.constant 80 : index
    %get3A_108 = tpu.vector_load %arg6[%get3A_107] {strides = array<i32>} : memref<160xf32, #tpu.memory_space<vmem>>, vector<16xf32>,
    %get3A_109 = vector.shape_cast %get3A_108 : vector<16xf32> to vector<16xf32>
    %add3A_110 = arith.addf %add3A_106, %get3A_109 : vector<16xf32>
    %get3A_111 = arith.constant 112 : index
    %get3A_112 = tpu.vector_load %arg6[%get3A_111] {strides = array<i32>} : memref<160xf32, #tpu.memory_space<vmem>>, vector<16xf32>,
    %get3A_113 = vector.shape_cast %get3A_112 : vector<16xf32> to vector<16xf32>
    %add3A_114 = arith.addf %add3A_110, %get3A_113 : vector<16xf32>
    %get3A_115 = arith.constant 144 : index
    %get3A_116 = tpu.vector_load %arg6[%get3A_115] {strides = array<i32>} : memref<160xf32, #tpu.memory_space<vmem>>, vector<16xf32>,
    %get3A_117 = vector.shape_cast %get3A_116 : vector<16xf32> to vector<16xf32>
    %add3A_118 = arith.addf %add3A_114, %get3A_117 : vector<16xf32>
    %mul3A_119 = arith.constant 2.000000e-01 : f32
    %mul3A_120 = vector.broadcast %mul3A_119 : f32 to vector<16xf32>
    %mul3A_121 = arith.mulf %add3A_118, %mul3A_120 : vector<16xf32>
    %swap3A_122 = arith.constant 16 : index
    %swap3A_123 = tpu.vector_load %arg7[%swap3A_122] {strides = array<i32>} : memref<32xf32, #tpu.memory_space<vmem>>, vector<16xf32>,
    %swap3A_124 = vector.shape_cast %swap3A_123 : vector<16xf32> to vector<16xf32>
    %swap3A_125 = vector.shape_cast %mul3A_121 : vector<16xf32> to vector<16xf32>
    tpu.vector_store %arg7[%swap3A_122], %swap3A_125 {strides = array<i32>} : memref<32xf32, #tpu.memory_space<vmem>>, vector<16xf32>,
    "tpu.region"() ({
      %run_scoped3A = tpu.sem_alloc : memref<!tpu.dma_semaphore, #tpu.memory_space<semaphore_mem>>
      %dma_start3A_126 = tpu.memref_slice %arg4[%mul3A_2] : memref<1024xf32, #tpu.memory_space<hbm>> -> memref<32xf32, #tpu.memory_space<hbm>>
      %dma_start3A_127 = tpu.memref_slice %arg4[%mul3A_2] : memref<1024xf32, #tpu.memory_space<hbm>> -> memref<32xf32, #tpu.memory_space<hbm>>
      tpu.enqueue_dma source(%arg7 : memref<32xf32, #tpu.memory_space<vmem>>) target(%dma_start3A_127 : memref<32xf32, #tpu.memory_space<hbm>>) target_semaphore(%run_scoped3A : memref<!tpu.dma_semaphore, #tpu.memory_space<semaphore_mem>>)
      %dma_wait3A_128 = tpu.memref_slice %arg4[%mul3A_2] : memref<1024xf32, #tpu.memory_space<hbm>> -> memref<32xf32, #tpu.memory_space<hbm>>
      %dma_wait3A_129 = tpu.memref_slice %arg4[%mul3A_2] : memref<1024xf32, #tpu.memory_space<hbm>> -> memref<32xf32, #tpu.memory_space<hbm>>
      tpu.wait_dma2 semaphore(%run_scoped3A : memref<!tpu.dma_semaphore, #tpu.memory_space<semaphore_mem>>) src(%arg7 : memref<32xf32, #tpu.memory_space<vmem>>) dst(%dma_wait3A_129 : memref<32xf32, #tpu.memory_space<hbm>>)
      tpu.yield
    }) : () -> ()
    return
  }
}

module attributes {stable_mosaic.version = 14 : i64} {
  func.func @_topk_body(%arg0: i32, %arg1: memref<32x16xf32, #tpu.memory_space<vmem>>, %arg2: memref<16x100096xf32, #tpu.memory_space<vmem>>, %arg3: memref<32x8xi32, #tpu.memory_space<vmem>>, %arg4: memref<32x100096xf32, #tpu.memory_space<vmem>>) attributes {dimension_semantics = [#tpu.dimension_semantics<arbitrary>], iteration_bounds = array<i64: 32>, scalar_prefetch = 0 : i64, scratch_operands = 1 : i64, tpu.core_type = #tpu.core_type<tc>, window_params = [{transform_indices = @transform_0, window_bounds = array<i64: 32, 16>}, {pipeline_mode = #tpu.pipeline_mode<synchronous>, transform_indices = @transform_1, window_bounds = array<i64: 16, 100096>}, {transform_indices = @transform_2, window_bounds = array<i64: 32, 8>}]} {
    %get3A = arith.constant 0 : index
    %get3A_0 = arith.constant 0 : index
    %get3A_1 = vector.load %arg1[%get3A, %get3A_0] : memref<32x16xf32, #tpu.memory_space<vmem>>, vector<32x16xf32>
    %get3A_2 = arith.constant 0 : index
    %get3A_3 = arith.constant 0 : index
    %get3A_4 = vector.load %arg2[%get3A_2, %get3A_3] : memref<16x100096xf32, #tpu.memory_space<vmem>>, vector<16x100096xf32>
    %mul3A = arith.mulf %get3A_1, %get3A_1 : vector<32x16xf32>
    %reduce_sum3A = arith.constant dense<0.000000e+00> : vector<32xf32>
    %reduce_sum3A_5 = vector.multi_reduction <add>, %mul3A, %reduce_sum3A [1] : vector<32x16xf32> to vector<32xf32>
    %broadcast_in_dim3A = vector.shape_cast %reduce_sum3A_5 : vector<32xf32> to vector<32x1xf32>
    %mul3A_6 = arith.mulf %get3A_4, %get3A_4 : vector<16x100096xf32>
    %reduce_sum3A_7 = arith.constant dense<0.000000e+00> : vector<100096xf32>
    %reduce_sum3A_8 = vector.multi_reduction <add>, %mul3A_6, %reduce_sum3A_7 [0] : vector<16x100096xf32> to vector<100096xf32>
    %broadcast_in_dim3A_9 = vector.shape_cast %reduce_sum3A_8 : vector<100096xf32> to vector<1x100096xf32>
    %dot_general3A = arith.constant dense<0.000000e+00> : vector<32x100096xf32>
    %dot_general3A_10 = tpu.matmul %get3A_1, %get3A_4, %dot_general3A {dimension_numbers = #tpu.dot_dimension_numbers<[1], [0], [0], [1], [0, 0, 1, 1], [], []>, transpose_lhs_hint = false} : vector<32x16xf32>, vector<16x100096xf32>, vector<32x100096xf32> -> vector<32x100096xf32>
    %add3A = vector.broadcast %broadcast_in_dim3A : vector<32x1xf32> to vector<32x100096xf32>
    %add3A_11 = vector.broadcast %broadcast_in_dim3A_9 : vector<1x100096xf32> to vector<32x100096xf32>
    %add3A_12 = arith.addf %add3A, %add3A_11 : vector<32x100096xf32>
    %mul3A_13 = arith.constant 2.000000e+00 : f32
    %mul3A_14 = vector.broadcast %mul3A_13 : f32 to vector<32x100096xf32>
    %mul3A_15 = arith.mulf %mul3A_14, %dot_general3A_10 : vector<32x100096xf32>
    %sub3A = arith.subf %add3A_12, %mul3A_15 : vector<32x100096xf32>
    %swap3A = arith.constant 0 : index
    %swap3A_16 = arith.constant 0 : index
    %swap3A_17 = vector.load %arg4[%swap3A, %swap3A_16] : memref<32x100096xf32, #tpu.memory_space<vmem>>, vector<32x100096xf32>
    tpu.vector_store %arg4[%swap3A, %swap3A_16], %sub3A {strides = array<i32>} : memref<32x100096xf32, #tpu.memory_space<vmem>>, vector<32x100096xf32>,
    %broadcast_in_dim3A_18 = arith.constant 0x7F800000 : f32
    %broadcast_in_dim3A_19 = vector.broadcast %broadcast_in_dim3A_18 : f32 to vector<32x128xf32>
    %broadcast_in_dim3A_20 = arith.constant 0.000000e+00 : f32
    %broadcast_in_dim3A_21 = vector.broadcast %broadcast_in_dim3A_20 : f32 to vector<32x128xf32>
    %scan3A = arith.constant 0 : i32
    %scan3A_22 = arith.constant 768 : i32
    %scan3A_23 = arith.addi %scan3A, %scan3A_22 : i32
    %scan3A_24 = arith.constant 16 : i32
    %scan3A_25:10 = scf.for %scan3A_604 = %scan3A to %scan3A_23 step %scan3A_24 iter_args(%scan3A_605 = %broadcast_in_dim3A_19, %scan3A_606 = %broadcast_in_dim3A_19, %scan3A_607 = %broadcast_in_dim3A_19, %scan3A_608 = %broadcast_in_dim3A_19, %scan3A_609 = %broadcast_in_dim3A_19, %scan3A_610 = %broadcast_in_dim3A_21, %scan3A_611 = %broadcast_in_dim3A_21, %scan3A_612 = %broadcast_in_dim3A_21, %scan3A_613 = %broadcast_in_dim3A_21, %scan3A_614 = %broadcast_in_dim3A_21) -> (vector<32x128xf32>, vector<32x128xf32>, vector<32x128xf32>, vector<32x128xf32>, vector<32x128xf32>, vector<32x128xf32>, vector<32x128xf32>, vector<32x128xf32>, vector<32x128xf32>, vector<32x128xf32>)  : i32 {
      %mul3A_615 = arith.constant 128 : i32
      %mul3A_616 = arith.muli %scan3A_604, %mul3A_615 : i32
      %multiple_of3A_617 = tpu.assume_multiple %mul3A_616, 128 : i32
      %get3A_618 = arith.constant 0 : index
      %get3A_619 = arith.index_cast %multiple_of3A_617 : i32 to index
      %get3A_620 = vector.load %arg4[%get3A_618, %get3A_619] : memref<32x100096xf32, #tpu.memory_space<vmem>>, vector<32x128xf32>
      %convert_element_type3A_621 = arith.sitofp %scan3A_604 : i32 to f32
      %lt3A_622 = arith.cmpf olt, %get3A_620, %scan3A_605 : vector<32x128xf32>
      %min3A_623 = arith.minimumf %scan3A_605, %get3A_620 : vector<32x128xf32>
      %max3A_624 = arith.maximumf %scan3A_605, %get3A_620 : vector<32x128xf32>
      %broadcast_in_dim3A_625 = vector.broadcast %convert_element_type3A_621 : f32 to vector<32x128xf32>
      %select_n3A_626 = arith.select %lt3A_622, %broadcast_in_dim3A_625, %scan3A_610 : vector<32x128xi1>, vector<32x128xf32>
      %broadcast_in_dim3A_627 = vector.broadcast %convert_element_type3A_621 : f32 to vector<32x128xf32>
      %select_n3A_628 = arith.select %lt3A_622, %scan3A_610, %broadcast_in_dim3A_627 : vector<32x128xi1>, vector<32x128xf32>
      %lt3A_629 = arith.cmpf olt, %max3A_624, %scan3A_606 : vector<32x128xf32>
      %min3A_630 = arith.minimumf %scan3A_606, %max3A_624 : vector<32x128xf32>
      %max3A_631 = arith.maximumf %scan3A_606, %max3A_624 : vector<32x128xf32>
      %select_n3A_632 = arith.select %lt3A_629, %select_n3A_628, %scan3A_611 : vector<32x128xi1>, vector<32x128xf32>
      %select_n3A_633 = arith.select %lt3A_629, %scan3A_611, %select_n3A_628 : vector<32x128xi1>, vector<32x128xf32>
      %lt3A_634 = arith.cmpf olt, %max3A_631, %scan3A_607 : vector<32x128xf32>
      %min3A_635 = arith.minimumf %scan3A_607, %max3A_631 : vector<32x128xf32>
      %max3A_636 = arith.maximumf %scan3A_607, %max3A_631 : vector<32x128xf32>
      %select_n3A_637 = arith.select %lt3A_634, %select_n3A_633, %scan3A_612 : vector<32x128xi1>, vector<32x128xf32>
      %select_n3A_638 = arith.select %lt3A_634, %scan3A_612, %select_n3A_633 : vector<32x128xi1>, vector<32x128xf32>
      %lt3A_639 = arith.cmpf olt, %max3A_636, %scan3A_608 : vector<32x128xf32>
      %min3A_640 = arith.minimumf %scan3A_608, %max3A_636 : vector<32x128xf32>
      %max3A_641 = arith.maximumf %scan3A_608, %max3A_636 : vector<32x128xf32>
      %select_n3A_642 = arith.select %lt3A_639, %select_n3A_638, %scan3A_613 : vector<32x128xi1>, vector<32x128xf32>
      %select_n3A_643 = arith.select %lt3A_639, %scan3A_613, %select_n3A_638 : vector<32x128xi1>, vector<32x128xf32>
      %lt3A_644 = arith.cmpf olt, %max3A_641, %scan3A_609 : vector<32x128xf32>
      %min3A_645 = arith.minimumf %scan3A_609, %max3A_641 : vector<32x128xf32>
      %select_n3A_646 = arith.select %lt3A_644, %select_n3A_643, %scan3A_614 : vector<32x128xi1>, vector<32x128xf32>
      %scan3A_647 = arith.constant 1 : i32
      %scan3A_648 = arith.addi %scan3A_604, %scan3A_647 : i32
      %mul3A_649 = arith.constant 128 : i32
      %mul3A_650 = arith.muli %scan3A_648, %mul3A_649 : i32
      %multiple_of3A_651 = tpu.assume_multiple %mul3A_650, 128 : i32
      %get3A_652 = arith.constant 0 : index
      %get3A_653 = arith.index_cast %multiple_of3A_651 : i32 to index
      %get3A_654 = vector.load %arg4[%get3A_652, %get3A_653] : memref<32x100096xf32, #tpu.memory_space<vmem>>, vector<32x128xf32>
      %convert_element_type3A_655 = arith.sitofp %scan3A_648 : i32 to f32
      %lt3A_656 = arith.cmpf olt, %get3A_654, %min3A_623 : vector<32x128xf32>
      %min3A_657 = arith.minimumf %min3A_623, %get3A_654 : vector<32x128xf32>
      %max3A_658 = arith.maximumf %min3A_623, %get3A_654 : vector<32x128xf32>
      %broadcast_in_dim3A_659 = vector.broadcast %convert_element_type3A_655 : f32 to vector<32x128xf32>
      %select_n3A_660 = arith.select %lt3A_656, %broadcast_in_dim3A_659, %select_n3A_626 : vector<32x128xi1>, vector<32x128xf32>
      %broadcast_in_dim3A_661 = vector.broadcast %convert_element_type3A_655 : f32 to vector<32x128xf32>
      %select_n3A_662 = arith.select %lt3A_656, %select_n3A_626, %broadcast_in_dim3A_661 : vector<32x128xi1>, vector<32x128xf32>
      %lt3A_663 = arith.cmpf olt, %max3A_658, %min3A_630 : vector<32x128xf32>
      %min3A_664 = arith.minimumf %min3A_630, %max3A_658 : vector<32x128xf32>
      %max3A_665 = arith.maximumf %min3A_630, %max3A_658 : vector<32x128xf32>
      %select_n3A_666 = arith.select %lt3A_663, %select_n3A_662, %select_n3A_632 : vector<32x128xi1>, vector<32x128xf32>
      %select_n3A_667 = arith.select %lt3A_663, %select_n3A_632, %select_n3A_662 : vector<32x128xi1>, vector<32x128xf32>
      %lt3A_668 = arith.cmpf olt, %max3A_665, %min3A_635 : vector<32x128xf32>
      %min3A_669 = arith.minimumf %min3A_635, %max3A_665 : vector<32x128xf32>
      %max3A_670 = arith.maximumf %min3A_635, %max3A_665 : vector<32x128xf32>
      %select_n3A_671 = arith.select %lt3A_668, %select_n3A_667, %select_n3A_637 : vector<32x128xi1>, vector<32x128xf32>
      %select_n3A_672 = arith.select %lt3A_668, %select_n3A_637, %select_n3A_667 : vector<32x128xi1>, vector<32x128xf32>
      %lt3A_673 = arith.cmpf olt, %max3A_670, %min3A_640 : vector<32x128xf32>
      %min3A_674 = arith.minimumf %min3A_640, %max3A_670 : vector<32x128xf32>
      %max3A_675 = arith.maximumf %min3A_640, %max3A_670 : vector<32x128xf32>
      %select_n3A_676 = arith.select %lt3A_673, %select_n3A_672, %select_n3A_642 : vector<32x128xi1>, vector<32x128xf32>
      %select_n3A_677 = arith.select %lt3A_673, %select_n3A_642, %select_n3A_672 : vector<32x128xi1>, vector<32x128xf32>
      %lt3A_678 = arith.cmpf olt, %max3A_675, %min3A_645 : vector<32x128xf32>
      %min3A_679 = arith.minimumf %min3A_645, %max3A_675 : vector<32x128xf32>
      %select_n3A_680 = arith.select %lt3A_678, %select_n3A_677, %select_n3A_646 : vector<32x128xi1>, vector<32x128xf32>
      %scan3A_681 = arith.constant 2 : i32
      %scan3A_682 = arith.addi %scan3A_604, %scan3A_681 : i32
      %mul3A_683 = arith.constant 128 : i32
      %mul3A_684 = arith.muli %scan3A_682, %mul3A_683 : i32
      %multiple_of3A_685 = tpu.assume_multiple %mul3A_684, 128 : i32
      %get3A_686 = arith.constant 0 : index
      %get3A_687 = arith.index_cast %multiple_of3A_685 : i32 to index
      %get3A_688 = vector.load %arg4[%get3A_686, %get3A_687] : memref<32x100096xf32, #tpu.memory_space<vmem>>, vector<32x128xf32>
      %convert_element_type3A_689 = arith.sitofp %scan3A_682 : i32 to f32
      %lt3A_690 = arith.cmpf olt, %get3A_688, %min3A_657 : vector<32x128xf32>
      %min3A_691 = arith.minimumf %min3A_657, %get3A_688 : vector<32x128xf32>
      %max3A_692 = arith.maximumf %min3A_657, %get3A_688 : vector<32x128xf32>
      %broadcast_in_dim3A_693 = vector.broadcast %convert_element_type3A_689 : f32 to vector<32x128xf32>
      %select_n3A_694 = arith.select %lt3A_690, %broadcast_in_dim3A_693, %select_n3A_660 : vector<32x128xi1>, vector<32x128xf32>
      %broadcast_in_dim3A_695 = vector.broadcast %convert_element_type3A_689 : f32 to vector<32x128xf32>
      %select_n3A_696 = arith.select %lt3A_690, %select_n3A_660, %broadcast_in_dim3A_695 : vector<32x128xi1>, vector<32x128xf32>
      %lt3A_697 = arith.cmpf olt, %max3A_692, %min3A_664 : vector<32x128xf32>
      %min3A_698 = arith.minimumf %min3A_664, %max3A_692 : vector<32x128xf32>
      %max3A_699 = arith.maximumf %min3A_664, %max3A_692 : vector<32x128xf32>
      %select_n3A_700 = arith.select %lt3A_697, %select_n3A_696, %select_n3A_666 : vector<32x128xi1>, vector<32x128xf32>
      %select_n3A_701 = arith.select %lt3A_697, %select_n3A_666, %select_n3A_696 : vector<32x128xi1>, vector<32x128xf32>
      %lt3A_702 = arith.cmpf olt, %max3A_699, %min3A_669 : vector<32x128xf32>
      %min3A_703 = arith.minimumf %min3A_669, %max3A_699 : vector<32x128xf32>
      %max3A_704 = arith.maximumf %min3A_669, %max3A_699 : vector<32x128xf32>
      %select_n3A_705 = arith.select %lt3A_702, %select_n3A_701, %select_n3A_671 : vector<32x128xi1>, vector<32x128xf32>
      %select_n3A_706 = arith.select %lt3A_702, %select_n3A_671, %select_n3A_701 : vector<32x128xi1>, vector<32x128xf32>
      %lt3A_707 = arith.cmpf olt, %max3A_704, %min3A_674 : vector<32x128xf32>
      %min3A_708 = arith.minimumf %min3A_674, %max3A_704 : vector<32x128xf32>
      %max3A_709 = arith.maximumf %min3A_674, %max3A_704 : vector<32x128xf32>
      %select_n3A_710 = arith.select %lt3A_707, %select_n3A_706, %select_n3A_676 : vector<32x128xi1>, vector<32x128xf32>
      %select_n3A_711 = arith.select %lt3A_707, %select_n3A_676, %select_n3A_706 : vector<32x128xi1>, vector<32x128xf32>
      %lt3A_712 = arith.cmpf olt, %max3A_709, %min3A_679 : vector<32x128xf32>
      %min3A_713 = arith.minimumf %min3A_679, %max3A_709 : vector<32x128xf32>
      %select_n3A_714 = arith.select %lt3A_712, %select_n3A_711, %select_n3A_680 : vector<32x128xi1>, vector<32x128xf32>
      %scan3A_715 = arith.constant 3 : i32
      %scan3A_716 = arith.addi %scan3A_604, %scan3A_715 : i32
      %mul3A_717 = arith.constant 128 : i32
      %mul3A_718 = arith.muli %scan3A_716, %mul3A_717 : i32
      %multiple_of3A_719 = tpu.assume_multiple %mul3A_718, 128 : i32
      %get3A_720 = arith.constant 0 : index
      %get3A_721 = arith.index_cast %multiple_of3A_719 : i32 to index
      %get3A_722 = vector.load %arg4[%get3A_720, %get3A_721] : memref<32x100096xf32, #tpu.memory_space<vmem>>, vector<32x128xf32>
      %convert_element_type3A_723 = arith.sitofp %scan3A_716 : i32 to f32
      %lt3A_724 = arith.cmpf olt, %get3A_722, %min3A_691 : vector<32x128xf32>
      %min3A_725 = arith.minimumf %min3A_691, %get3A_722 : vector<32x128xf32>
      %max3A_726 = arith.maximumf %min3A_691, %get3A_722 : vector<32x128xf32>
      %broadcast_in_dim3A_727 = vector.broadcast %convert_element_type3A_723 : f32 to vector<32x128xf32>
      %select_n3A_728 = arith.select %lt3A_724, %broadcast_in_dim3A_727, %select_n3A_694 : vector<32x128xi1>, vector<32x128xf32>
      %broadcast_in_dim3A_729 = vector.broadcast %convert_element_type3A_723 : f32 to vector<32x128xf32>
      %select_n3A_730 = arith.select %lt3A_724, %select_n3A_694, %broadcast_in_dim3A_729 : vector<32x128xi1>, vector<32x128xf32>
      %lt3A_731 = arith.cmpf olt, %max3A_726, %min3A_698 : vector<32x128xf32>
      %min3A_732 = arith.minimumf %min3A_698, %max3A_726 : vector<32x128xf32>
      %max3A_733 = arith.maximumf %min3A_698, %max3A_726 : vector<32x128xf32>
      %select_n3A_734 = arith.select %lt3A_731, %select_n3A_730, %select_n3A_700 : vector<32x128xi1>, vector<32x128xf32>
      %select_n3A_735 = arith.select %lt3A_731, %select_n3A_700, %select_n3A_730 : vector<32x128xi1>, vector<32x128xf32>
      %lt3A_736 = arith.cmpf olt, %max3A_733, %min3A_703 : vector<32x128xf32>
      %min3A_737 = arith.minimumf %min3A_703, %max3A_733 : vector<32x128xf32>
      %max3A_738 = arith.maximumf %min3A_703, %max3A_733 : vector<32x128xf32>
      %select_n3A_739 = arith.select %lt3A_736, %select_n3A_735, %select_n3A_705 : vector<32x128xi1>, vector<32x128xf32>
      %select_n3A_740 = arith.select %lt3A_736, %select_n3A_705, %select_n3A_735 : vector<32x128xi1>, vector<32x128xf32>
      %lt3A_741 = arith.cmpf olt, %max3A_738, %min3A_708 : vector<32x128xf32>
      %min3A_742 = arith.minimumf %min3A_708, %max3A_738 : vector<32x128xf32>
      %max3A_743 = arith.maximumf %min3A_708, %max3A_738 : vector<32x128xf32>
      %select_n3A_744 = arith.select %lt3A_741, %select_n3A_740, %select_n3A_710 : vector<32x128xi1>, vector<32x128xf32>
      %select_n3A_745 = arith.select %lt3A_741, %select_n3A_710, %select_n3A_740 : vector<32x128xi1>, vector<32x128xf32>
      %lt3A_746 = arith.cmpf olt, %max3A_743, %min3A_713 : vector<32x128xf32>
      %min3A_747 = arith.minimumf %min3A_713, %max3A_743 : vector<32x128xf32>
      %select_n3A_748 = arith.select %lt3A_746, %select_n3A_745, %select_n3A_714 : vector<32x128xi1>, vector<32x128xf32>
      %scan3A_749 = arith.constant 4 : i32
      %scan3A_750 = arith.addi %scan3A_604, %scan3A_749 : i32
      %mul3A_751 = arith.constant 128 : i32
      %mul3A_752 = arith.muli %scan3A_750, %mul3A_751 : i32
      %multiple_of3A_753 = tpu.assume_multiple %mul3A_752, 128 : i32
      %get3A_754 = arith.constant 0 : index
      %get3A_755 = arith.index_cast %multiple_of3A_753 : i32 to index
      %get3A_756 = vector.load %arg4[%get3A_754, %get3A_755] : memref<32x100096xf32, #tpu.memory_space<vmem>>, vector<32x128xf32>
      %convert_element_type3A_757 = arith.sitofp %scan3A_750 : i32 to f32
      %lt3A_758 = arith.cmpf olt, %get3A_756, %min3A_725 : vector<32x128xf32>
      %min3A_759 = arith.minimumf %min3A_725, %get3A_756 : vector<32x128xf32>
      %max3A_760 = arith.maximumf %min3A_725, %get3A_756 : vector<32x128xf32>
      %broadcast_in_dim3A_761 = vector.broadcast %convert_element_type3A_757 : f32 to vector<32x128xf32>
      %select_n3A_762 = arith.select %lt3A_758, %broadcast_in_dim3A_761, %select_n3A_728 : vector<32x128xi1>, vector<32x128xf32>
      %broadcast_in_dim3A_763 = vector.broadcast %convert_element_type3A_757 : f32 to vector<32x128xf32>
      %select_n3A_764 = arith.select %lt3A_758, %select_n3A_728, %broadcast_in_dim3A_763 : vector<32x128xi1>, vector<32x128xf32>
      %lt3A_765 = arith.cmpf olt, %max3A_760, %min3A_732 : vector<32x128xf32>
      %min3A_766 = arith.minimumf %min3A_732, %max3A_760 : vector<32x128xf32>
      %max3A_767 = arith.maximumf %min3A_732, %max3A_760 : vector<32x128xf32>
      %select_n3A_768 = arith.select %lt3A_765, %select_n3A_764, %select_n3A_734 : vector<32x128xi1>, vector<32x128xf32>
      %select_n3A_769 = arith.select %lt3A_765, %select_n3A_734, %select_n3A_764 : vector<32x128xi1>, vector<32x128xf32>
      %lt3A_770 = arith.cmpf olt, %max3A_767, %min3A_737 : vector<32x128xf32>
      %min3A_771 = arith.minimumf %min3A_737, %max3A_767 : vector<32x128xf32>
      %max3A_772 = arith.maximumf %min3A_737, %max3A_767 : vector<32x128xf32>
      %select_n3A_773 = arith.select %lt3A_770, %select_n3A_769, %select_n3A_739 : vector<32x128xi1>, vector<32x128xf32>
      %select_n3A_774 = arith.select %lt3A_770, %select_n3A_739, %select_n3A_769 : vector<32x128xi1>, vector<32x128xf32>
      %lt3A_775 = arith.cmpf olt, %max3A_772, %min3A_742 : vector<32x128xf32>
      %min3A_776 = arith.minimumf %min3A_742, %max3A_772 : vector<32x128xf32>
      %max3A_777 = arith.maximumf %min3A_742, %max3A_772 : vector<32x128xf32>
      %select_n3A_778 = arith.select %lt3A_775, %select_n3A_774, %select_n3A_744 : vector<32x128xi1>, vector<32x128xf32>
      %select_n3A_779 = arith.select %lt3A_775, %select_n3A_744, %select_n3A_774 : vector<32x128xi1>, vector<32x128xf32>
      %lt3A_780 = arith.cmpf olt, %max3A_777, %min3A_747 : vector<32x128xf32>
      %min3A_781 = arith.minimumf %min3A_747, %max3A_777 : vector<32x128xf32>
      %select_n3A_782 = arith.select %lt3A_780, %select_n3A_779, %select_n3A_748 : vector<32x128xi1>, vector<32x128xf32>
      %scan3A_783 = arith.constant 5 : i32
      %scan3A_784 = arith.addi %scan3A_604, %scan3A_783 : i32
      %mul3A_785 = arith.constant 128 : i32
      %mul3A_786 = arith.muli %scan3A_784, %mul3A_785 : i32
      %multiple_of3A_787 = tpu.assume_multiple %mul3A_786, 128 : i32
      %get3A_788 = arith.constant 0 : index
      %get3A_789 = arith.index_cast %multiple_of3A_787 : i32 to index
      %get3A_790 = vector.load %arg4[%get3A_788, %get3A_789] : memref<32x100096xf32, #tpu.memory_space<vmem>>, vector<32x128xf32>
      %convert_element_type3A_791 = arith.sitofp %scan3A_784 : i32 to f32
      %lt3A_792 = arith.cmpf olt, %get3A_790, %min3A_759 : vector<32x128xf32>
      %min3A_793 = arith.minimumf %min3A_759, %get3A_790 : vector<32x128xf32>
      %max3A_794 = arith.maximumf %min3A_759, %get3A_790 : vector<32x128xf32>
      %broadcast_in_dim3A_795 = vector.broadcast %convert_element_type3A_791 : f32 to vector<32x128xf32>
      %select_n3A_796 = arith.select %lt3A_792, %broadcast_in_dim3A_795, %select_n3A_762 : vector<32x128xi1>, vector<32x128xf32>
      %broadcast_in_dim3A_797 = vector.broadcast %convert_element_type3A_791 : f32 to vector<32x128xf32>
      %select_n3A_798 = arith.select %lt3A_792, %select_n3A_762, %broadcast_in_dim3A_797 : vector<32x128xi1>, vector<32x128xf32>
      %lt3A_799 = arith.cmpf olt, %max3A_794, %min3A_766 : vector<32x128xf32>
      %min3A_800 = arith.minimumf %min3A_766, %max3A_794 : vector<32x128xf32>
      %max3A_801 = arith.maximumf %min3A_766, %max3A_794 : vector<32x128xf32>
      %select_n3A_802 = arith.select %lt3A_799, %select_n3A_798, %select_n3A_768 : vector<32x128xi1>, vector<32x128xf32>
      %select_n3A_803 = arith.select %lt3A_799, %select_n3A_768, %select_n3A_798 : vector<32x128xi1>, vector<32x128xf32>
      %lt3A_804 = arith.cmpf olt, %max3A_801, %min3A_771 : vector<32x128xf32>
      %min3A_805 = arith.minimumf %min3A_771, %max3A_801 : vector<32x128xf32>
      %max3A_806 = arith.maximumf %min3A_771, %max3A_801 : vector<32x128xf32>
      %select_n3A_807 = arith.select %lt3A_804, %select_n3A_803, %select_n3A_773 : vector<32x128xi1>, vector<32x128xf32>
      %select_n3A_808 = arith.select %lt3A_804, %select_n3A_773, %select_n3A_803 : vector<32x128xi1>, vector<32x128xf32>
      %lt3A_809 = arith.cmpf olt, %max3A_806, %min3A_776 : vector<32x128xf32>
      %min3A_810 = arith.minimumf %min3A_776, %max3A_806 : vector<32x128xf32>
      %max3A_811 = arith.maximumf %min3A_776, %max3A_806 : vector<32x128xf32>
      %select_n3A_812 = arith.select %lt3A_809, %select_n3A_808, %select_n3A_778 : vector<32x128xi1>, vector<32x128xf32>
      %select_n3A_813 = arith.select %lt3A_809, %select_n3A_778, %select_n3A_808 : vector<32x128xi1>, vector<32x128xf32>
      %lt3A_814 = arith.cmpf olt, %max3A_811, %min3A_781 : vector<32x128xf32>
      %min3A_815 = arith.minimumf %min3A_781, %max3A_811 : vector<32x128xf32>
      %select_n3A_816 = arith.select %lt3A_814, %select_n3A_813, %select_n3A_782 : vector<32x128xi1>, vector<32x128xf32>
      %scan3A_817 = arith.constant 6 : i32
      %scan3A_818 = arith.addi %scan3A_604, %scan3A_817 : i32
      %mul3A_819 = arith.constant 128 : i32
      %mul3A_820 = arith.muli %scan3A_818, %mul3A_819 : i32
      %multiple_of3A_821 = tpu.assume_multiple %mul3A_820, 128 : i32
      %get3A_822 = arith.constant 0 : index
      %get3A_823 = arith.index_cast %multiple_of3A_821 : i32 to index
      %get3A_824 = vector.load %arg4[%get3A_822, %get3A_823] : memref<32x100096xf32, #tpu.memory_space<vmem>>, vector<32x128xf32>
      %convert_element_type3A_825 = arith.sitofp %scan3A_818 : i32 to f32
      %lt3A_826 = arith.cmpf olt, %get3A_824, %min3A_793 : vector<32x128xf32>
      %min3A_827 = arith.minimumf %min3A_793, %get3A_824 : vector<32x128xf32>
      %max3A_828 = arith.maximumf %min3A_793, %get3A_824 : vector<32x128xf32>
      %broadcast_in_dim3A_829 = vector.broadcast %convert_element_type3A_825 : f32 to vector<32x128xf32>
      %select_n3A_830 = arith.select %lt3A_826, %broadcast_in_dim3A_829, %select_n3A_796 : vector<32x128xi1>, vector<32x128xf32>
      %broadcast_in_dim3A_831 = vector.broadcast %convert_element_type3A_825 : f32 to vector<32x128xf32>
      %select_n3A_832 = arith.select %lt3A_826, %select_n3A_796, %broadcast_in_dim3A_831 : vector<32x128xi1>, vector<32x128xf32>
      %lt3A_833 = arith.cmpf olt, %max3A_828, %min3A_800 : vector<32x128xf32>
      %min3A_834 = arith.minimumf %min3A_800, %max3A_828 : vector<32x128xf32>
      %max3A_835 = arith.maximumf %min3A_800, %max3A_828 : vector<32x128xf32>
      %select_n3A_836 = arith.select %lt3A_833, %select_n3A_832, %select_n3A_802 : vector<32x128xi1>, vector<32x128xf32>
      %select_n3A_837 = arith.select %lt3A_833, %select_n3A_802, %select_n3A_832 : vector<32x128xi1>, vector<32x128xf32>
      %lt3A_838 = arith.cmpf olt, %max3A_835, %min3A_805 : vector<32x128xf32>
      %min3A_839 = arith.minimumf %min3A_805, %max3A_835 : vector<32x128xf32>
      %max3A_840 = arith.maximumf %min3A_805, %max3A_835 : vector<32x128xf32>
      %select_n3A_841 = arith.select %lt3A_838, %select_n3A_837, %select_n3A_807 : vector<32x128xi1>, vector<32x128xf32>
      %select_n3A_842 = arith.select %lt3A_838, %select_n3A_807, %select_n3A_837 : vector<32x128xi1>, vector<32x128xf32>
      %lt3A_843 = arith.cmpf olt, %max3A_840, %min3A_810 : vector<32x128xf32>
      %min3A_844 = arith.minimumf %min3A_810, %max3A_840 : vector<32x128xf32>
      %max3A_845 = arith.maximumf %min3A_810, %max3A_840 : vector<32x128xf32>
      %select_n3A_846 = arith.select %lt3A_843, %select_n3A_842, %select_n3A_812 : vector<32x128xi1>, vector<32x128xf32>
      %select_n3A_847 = arith.select %lt3A_843, %select_n3A_812, %select_n3A_842 : vector<32x128xi1>, vector<32x128xf32>
      %lt3A_848 = arith.cmpf olt, %max3A_845, %min3A_815 : vector<32x128xf32>
      %min3A_849 = arith.minimumf %min3A_815, %max3A_845 : vector<32x128xf32>
      %select_n3A_850 = arith.select %lt3A_848, %select_n3A_847, %select_n3A_816 : vector<32x128xi1>, vector<32x128xf32>
      %scan3A_851 = arith.constant 7 : i32
      %scan3A_852 = arith.addi %scan3A_604, %scan3A_851 : i32
      %mul3A_853 = arith.constant 128 : i32
      %mul3A_854 = arith.muli %scan3A_852, %mul3A_853 : i32
      %multiple_of3A_855 = tpu.assume_multiple %mul3A_854, 128 : i32
      %get3A_856 = arith.constant 0 : index
      %get3A_857 = arith.index_cast %multiple_of3A_855 : i32 to index
      %get3A_858 = vector.load %arg4[%get3A_856, %get3A_857] : memref<32x100096xf32, #tpu.memory_space<vmem>>, vector<32x128xf32>
      %convert_element_type3A_859 = arith.sitofp %scan3A_852 : i32 to f32
      %lt3A_860 = arith.cmpf olt, %get3A_858, %min3A_827 : vector<32x128xf32>
      %min3A_861 = arith.minimumf %min3A_827, %get3A_858 : vector<32x128xf32>
      %max3A_862 = arith.maximumf %min3A_827, %get3A_858 : vector<32x128xf32>
      %broadcast_in_dim3A_863 = vector.broadcast %convert_element_type3A_859 : f32 to vector<32x128xf32>
      %select_n3A_864 = arith.select %lt3A_860, %broadcast_in_dim3A_863, %select_n3A_830 : vector<32x128xi1>, vector<32x128xf32>
      %broadcast_in_dim3A_865 = vector.broadcast %convert_element_type3A_859 : f32 to vector<32x128xf32>
      %select_n3A_866 = arith.select %lt3A_860, %select_n3A_830, %broadcast_in_dim3A_865 : vector<32x128xi1>, vector<32x128xf32>
      %lt3A_867 = arith.cmpf olt, %max3A_862, %min3A_834 : vector<32x128xf32>
      %min3A_868 = arith.minimumf %min3A_834, %max3A_862 : vector<32x128xf32>
      %max3A_869 = arith.maximumf %min3A_834, %max3A_862 : vector<32x128xf32>
      %select_n3A_870 = arith.select %lt3A_867, %select_n3A_866, %select_n3A_836 : vector<32x128xi1>, vector<32x128xf32>
      %select_n3A_871 = arith.select %lt3A_867, %select_n3A_836, %select_n3A_866 : vector<32x128xi1>, vector<32x128xf32>
      %lt3A_872 = arith.cmpf olt, %max3A_869, %min3A_839 : vector<32x128xf32>
      %min3A_873 = arith.minimumf %min3A_839, %max3A_869 : vector<32x128xf32>
      %max3A_874 = arith.maximumf %min3A_839, %max3A_869 : vector<32x128xf32>
      %select_n3A_875 = arith.select %lt3A_872, %select_n3A_871, %select_n3A_841 : vector<32x128xi1>, vector<32x128xf32>
      %select_n3A_876 = arith.select %lt3A_872, %select_n3A_841, %select_n3A_871 : vector<32x128xi1>, vector<32x128xf32>
      %lt3A_877 = arith.cmpf olt, %max3A_874, %min3A_844 : vector<32x128xf32>
      %min3A_878 = arith.minimumf %min3A_844, %max3A_874 : vector<32x128xf32>
      %max3A_879 = arith.maximumf %min3A_844, %max3A_874 : vector<32x128xf32>
      %select_n3A_880 = arith.select %lt3A_877, %select_n3A_876, %select_n3A_846 : vector<32x128xi1>, vector<32x128xf32>
      %select_n3A_881 = arith.select %lt3A_877, %select_n3A_846, %select_n3A_876 : vector<32x128xi1>, vector<32x128xf32>
      %lt3A_882 = arith.cmpf olt, %max3A_879, %min3A_849 : vector<32x128xf32>
      %min3A_883 = arith.minimumf %min3A_849, %max3A_879 : vector<32x128xf32>
      %select_n3A_884 = arith.select %lt3A_882, %select_n3A_881, %select_n3A_850 : vector<32x128xi1>, vector<32x128xf32>
      %scan3A_885 = arith.constant 8 : i32
      %scan3A_886 = arith.addi %scan3A_604, %scan3A_885 : i32
      %mul3A_887 = arith.constant 128 : i32
      %mul3A_888 = arith.muli %scan3A_886, %mul3A_887 : i32
      %multiple_of3A_889 = tpu.assume_multiple %mul3A_888, 128 : i32
      %get3A_890 = arith.constant 0 : index
      %get3A_891 = arith.index_cast %multiple_of3A_889 : i32 to index
      %get3A_892 = vector.load %arg4[%get3A_890, %get3A_891] : memref<32x100096xf32, #tpu.memory_space<vmem>>, vector<32x128xf32>
      %convert_element_type3A_893 = arith.sitofp %scan3A_886 : i32 to f32
      %lt3A_894 = arith.cmpf olt, %get3A_892, %min3A_861 : vector<32x128xf32>
      %min3A_895 = arith.minimumf %min3A_861, %get3A_892 : vector<32x128xf32>
      %max3A_896 = arith.maximumf %min3A_861, %get3A_892 : vector<32x128xf32>
      %broadcast_in_dim3A_897 = vector.broadcast %convert_element_type3A_893 : f32 to vector<32x128xf32>
      %select_n3A_898 = arith.select %lt3A_894, %broadcast_in_dim3A_897, %select_n3A_864 : vector<32x128xi1>, vector<32x128xf32>
      %broadcast_in_dim3A_899 = vector.broadcast %convert_element_type3A_893 : f32 to vector<32x128xf32>
      %select_n3A_900 = arith.select %lt3A_894, %select_n3A_864, %broadcast_in_dim3A_899 : vector<32x128xi1>, vector<32x128xf32>
      %lt3A_901 = arith.cmpf olt, %max3A_896, %min3A_868 : vector<32x128xf32>
      %min3A_902 = arith.minimumf %min3A_868, %max3A_896 : vector<32x128xf32>
      %max3A_903 = arith.maximumf %min3A_868, %max3A_896 : vector<32x128xf32>
      %select_n3A_904 = arith.select %lt3A_901, %select_n3A_900, %select_n3A_870 : vector<32x128xi1>, vector<32x128xf32>
      %select_n3A_905 = arith.select %lt3A_901, %select_n3A_870, %select_n3A_900 : vector<32x128xi1>, vector<32x128xf32>
      %lt3A_906 = arith.cmpf olt, %max3A_903, %min3A_873 : vector<32x128xf32>
      %min3A_907 = arith.minimumf %min3A_873, %max3A_903 : vector<32x128xf32>
      %max3A_908 = arith.maximumf %min3A_873, %max3A_903 : vector<32x128xf32>
      %select_n3A_909 = arith.select %lt3A_906, %select_n3A_905, %select_n3A_875 : vector<32x128xi1>, vector<32x128xf32>
      %select_n3A_910 = arith.select %lt3A_906, %select_n3A_875, %select_n3A_905 : vector<32x128xi1>, vector<32x128xf32>
      %lt3A_911 = arith.cmpf olt, %max3A_908, %min3A_878 : vector<32x128xf32>
      %min3A_912 = arith.minimumf %min3A_878, %max3A_908 : vector<32x128xf32>
      %max3A_913 = arith.maximumf %min3A_878, %max3A_908 : vector<32x128xf32>
      %select_n3A_914 = arith.select %lt3A_911, %select_n3A_910, %select_n3A_880 : vector<32x128xi1>, vector<32x128xf32>
      %select_n3A_915 = arith.select %lt3A_911, %select_n3A_880, %select_n3A_910 : vector<32x128xi1>, vector<32x128xf32>
      %lt3A_916 = arith.cmpf olt, %max3A_913, %min3A_883 : vector<32x128xf32>
      %min3A_917 = arith.minimumf %min3A_883, %max3A_913 : vector<32x128xf32>
      %select_n3A_918 = arith.select %lt3A_916, %select_n3A_915, %select_n3A_884 : vector<32x128xi1>, vector<32x128xf32>
      %scan3A_919 = arith.constant 9 : i32
      %scan3A_920 = arith.addi %scan3A_604, %scan3A_919 : i32
      %mul3A_921 = arith.constant 128 : i32
      %mul3A_922 = arith.muli %scan3A_920, %mul3A_921 : i32
      %multiple_of3A_923 = tpu.assume_multiple %mul3A_922, 128 : i32
      %get3A_924 = arith.constant 0 : index
      %get3A_925 = arith.index_cast %multiple_of3A_923 : i32 to index
      %get3A_926 = vector.load %arg4[%get3A_924, %get3A_925] : memref<32x100096xf32, #tpu.memory_space<vmem>>, vector<32x128xf32>
      %convert_element_type3A_927 = arith.sitofp %scan3A_920 : i32 to f32
      %lt3A_928 = arith.cmpf olt, %get3A_926, %min3A_895 : vector<32x128xf32>
      %min3A_929 = arith.minimumf %min3A_895, %get3A_926 : vector<32x128xf32>
      %max3A_930 = arith.maximumf %min3A_895, %get3A_926 : vector<32x128xf32>
      %broadcast_in_dim3A_931 = vector.broadcast %convert_element_type3A_927 : f32 to vector<32x128xf32>
      %select_n3A_932 = arith.select %lt3A_928, %broadcast_in_dim3A_931, %select_n3A_898 : vector<32x128xi1>, vector<32x128xf32>
      %broadcast_in_dim3A_933 = vector.broadcast %convert_element_type3A_927 : f32 to vector<32x128xf32>
      %select_n3A_934 = arith.select %lt3A_928, %select_n3A_898, %broadcast_in_dim3A_933 : vector<32x128xi1>, vector<32x128xf32>
      %lt3A_935 = arith.cmpf olt, %max3A_930, %min3A_902 : vector<32x128xf32>
      %min3A_936 = arith.minimumf %min3A_902, %max3A_930 : vector<32x128xf32>
      %max3A_937 = arith.maximumf %min3A_902, %max3A_930 : vector<32x128xf32>
      %select_n3A_938 = arith.select %lt3A_935, %select_n3A_934, %select_n3A_904 : vector<32x128xi1>, vector<32x128xf32>
      %select_n3A_939 = arith.select %lt3A_935, %select_n3A_904, %select_n3A_934 : vector<32x128xi1>, vector<32x128xf32>
      %lt3A_940 = arith.cmpf olt, %max3A_937, %min3A_907 : vector<32x128xf32>
      %min3A_941 = arith.minimumf %min3A_907, %max3A_937 : vector<32x128xf32>
      %max3A_942 = arith.maximumf %min3A_907, %max3A_937 : vector<32x128xf32>
      %select_n3A_943 = arith.select %lt3A_940, %select_n3A_939, %select_n3A_909 : vector<32x128xi1>, vector<32x128xf32>
      %select_n3A_944 = arith.select %lt3A_940, %select_n3A_909, %select_n3A_939 : vector<32x128xi1>, vector<32x128xf32>
      %lt3A_945 = arith.cmpf olt, %max3A_942, %min3A_912 : vector<32x128xf32>
      %min3A_946 = arith.minimumf %min3A_912, %max3A_942 : vector<32x128xf32>
      %max3A_947 = arith.maximumf %min3A_912, %max3A_942 : vector<32x128xf32>
      %select_n3A_948 = arith.select %lt3A_945, %select_n3A_944, %select_n3A_914 : vector<32x128xi1>, vector<32x128xf32>
      %select_n3A_949 = arith.select %lt3A_945, %select_n3A_914, %select_n3A_944 : vector<32x128xi1>, vector<32x128xf32>
      %lt3A_950 = arith.cmpf olt, %max3A_947, %min3A_917 : vector<32x128xf32>
      %min3A_951 = arith.minimumf %min3A_917, %max3A_947 : vector<32x128xf32>
      %select_n3A_952 = arith.select %lt3A_950, %select_n3A_949, %select_n3A_918 : vector<32x128xi1>, vector<32x128xf32>
      %scan3A_953 = arith.constant 10 : i32
      %scan3A_954 = arith.addi %scan3A_604, %scan3A_953 : i32
      %mul3A_955 = arith.constant 128 : i32
      %mul3A_956 = arith.muli %scan3A_954, %mul3A_955 : i32
      %multiple_of3A_957 = tpu.assume_multiple %mul3A_956, 128 : i32
      %get3A_958 = arith.constant 0 : index
      %get3A_959 = arith.index_cast %multiple_of3A_957 : i32 to index
      %get3A_960 = vector.load %arg4[%get3A_958, %get3A_959] : memref<32x100096xf32, #tpu.memory_space<vmem>>, vector<32x128xf32>
      %convert_element_type3A_961 = arith.sitofp %scan3A_954 : i32 to f32
      %lt3A_962 = arith.cmpf olt, %get3A_960, %min3A_929 : vector<32x128xf32>
      %min3A_963 = arith.minimumf %min3A_929, %get3A_960 : vector<32x128xf32>
      %max3A_964 = arith.maximumf %min3A_929, %get3A_960 : vector<32x128xf32>
      %broadcast_in_dim3A_965 = vector.broadcast %convert_element_type3A_961 : f32 to vector<32x128xf32>
      %select_n3A_966 = arith.select %lt3A_962, %broadcast_in_dim3A_965, %select_n3A_932 : vector<32x128xi1>, vector<32x128xf32>
      %broadcast_in_dim3A_967 = vector.broadcast %convert_element_type3A_961 : f32 to vector<32x128xf32>
      %select_n3A_968 = arith.select %lt3A_962, %select_n3A_932, %broadcast_in_dim3A_967 : vector<32x128xi1>, vector<32x128xf32>
      %lt3A_969 = arith.cmpf olt, %max3A_964, %min3A_936 : vector<32x128xf32>
      %min3A_970 = arith.minimumf %min3A_936, %max3A_964 : vector<32x128xf32>
      %max3A_971 = arith.maximumf %min3A_936, %max3A_964 : vector<32x128xf32>
      %select_n3A_972 = arith.select %lt3A_969, %select_n3A_968, %select_n3A_938 : vector<32x128xi1>, vector<32x128xf32>
      %select_n3A_973 = arith.select %lt3A_969, %select_n3A_938, %select_n3A_968 : vector<32x128xi1>, vector<32x128xf32>
      %lt3A_974 = arith.cmpf olt, %max3A_971, %min3A_941 : vector<32x128xf32>
      %min3A_975 = arith.minimumf %min3A_941, %max3A_971 : vector<32x128xf32>
      %max3A_976 = arith.maximumf %min3A_941, %max3A_971 : vector<32x128xf32>
      %select_n3A_977 = arith.select %lt3A_974, %select_n3A_973, %select_n3A_943 : vector<32x128xi1>, vector<32x128xf32>
      %select_n3A_978 = arith.select %lt3A_974, %select_n3A_943, %select_n3A_973 : vector<32x128xi1>, vector<32x128xf32>
      %lt3A_979 = arith.cmpf olt, %max3A_976, %min3A_946 : vector<32x128xf32>
      %min3A_980 = arith.minimumf %min3A_946, %max3A_976 : vector<32x128xf32>
      %max3A_981 = arith.maximumf %min3A_946, %max3A_976 : vector<32x128xf32>
      %select_n3A_982 = arith.select %lt3A_979, %select_n3A_978, %select_n3A_948 : vector<32x128xi1>, vector<32x128xf32>
      %select_n3A_983 = arith.select %lt3A_979, %select_n3A_948, %select_n3A_978 : vector<32x128xi1>, vector<32x128xf32>
      %lt3A_984 = arith.cmpf olt, %max3A_981, %min3A_951 : vector<32x128xf32>
      %min3A_985 = arith.minimumf %min3A_951, %max3A_981 : vector<32x128xf32>
      %select_n3A_986 = arith.select %lt3A_984, %select_n3A_983, %select_n3A_952 : vector<32x128xi1>, vector<32x128xf32>
      %scan3A_987 = arith.constant 11 : i32
      %scan3A_988 = arith.addi %scan3A_604, %scan3A_987 : i32
      %mul3A_989 = arith.constant 128 : i32
      %mul3A_990 = arith.muli %scan3A_988, %mul3A_989 : i32
      %multiple_of3A_991 = tpu.assume_multiple %mul3A_990, 128 : i32
      %get3A_992 = arith.constant 0 : index
      %get3A_993 = arith.index_cast %multiple_of3A_991 : i32 to index
      %get3A_994 = vector.load %arg4[%get3A_992, %get3A_993] : memref<32x100096xf32, #tpu.memory_space<vmem>>, vector<32x128xf32>
      %convert_element_type3A_995 = arith.sitofp %scan3A_988 : i32 to f32
      %lt3A_996 = arith.cmpf olt, %get3A_994, %min3A_963 : vector<32x128xf32>
      %min3A_997 = arith.minimumf %min3A_963, %get3A_994 : vector<32x128xf32>
      %max3A_998 = arith.maximumf %min3A_963, %get3A_994 : vector<32x128xf32>
      %broadcast_in_dim3A_999 = vector.broadcast %convert_element_type3A_995 : f32 to vector<32x128xf32>
      %select_n3A_1000 = arith.select %lt3A_996, %broadcast_in_dim3A_999, %select_n3A_966 : vector<32x128xi1>, vector<32x128xf32>
      %broadcast_in_dim3A_1001 = vector.broadcast %convert_element_type3A_995 : f32 to vector<32x128xf32>
      %select_n3A_1002 = arith.select %lt3A_996, %select_n3A_966, %broadcast_in_dim3A_1001 : vector<32x128xi1>, vector<32x128xf32>
      %lt3A_1003 = arith.cmpf olt, %max3A_998, %min3A_970 : vector<32x128xf32>
      %min3A_1004 = arith.minimumf %min3A_970, %max3A_998 : vector<32x128xf32>
      %max3A_1005 = arith.maximumf %min3A_970, %max3A_998 : vector<32x128xf32>
      %select_n3A_1006 = arith.select %lt3A_1003, %select_n3A_1002, %select_n3A_972 : vector<32x128xi1>, vector<32x128xf32>
      %select_n3A_1007 = arith.select %lt3A_1003, %select_n3A_972, %select_n3A_1002 : vector<32x128xi1>, vector<32x128xf32>
      %lt3A_1008 = arith.cmpf olt, %max3A_1005, %min3A_975 : vector<32x128xf32>
      %min3A_1009 = arith.minimumf %min3A_975, %max3A_1005 : vector<32x128xf32>
      %max3A_1010 = arith.maximumf %min3A_975, %max3A_1005 : vector<32x128xf32>
      %select_n3A_1011 = arith.select %lt3A_1008, %select_n3A_1007, %select_n3A_977 : vector<32x128xi1>, vector<32x128xf32>
      %select_n3A_1012 = arith.select %lt3A_1008, %select_n3A_977, %select_n3A_1007 : vector<32x128xi1>, vector<32x128xf32>
      %lt3A_1013 = arith.cmpf olt, %max3A_1010, %min3A_980 : vector<32x128xf32>
      %min3A_1014 = arith.minimumf %min3A_980, %max3A_1010 : vector<32x128xf32>
      %max3A_1015 = arith.maximumf %min3A_980, %max3A_1010 : vector<32x128xf32>
      %select_n3A_1016 = arith.select %lt3A_1013, %select_n3A_1012, %select_n3A_982 : vector<32x128xi1>, vector<32x128xf32>
      %select_n3A_1017 = arith.select %lt3A_1013, %select_n3A_982, %select_n3A_1012 : vector<32x128xi1>, vector<32x128xf32>
      %lt3A_1018 = arith.cmpf olt, %max3A_1015, %min3A_985 : vector<32x128xf32>
      %min3A_1019 = arith.minimumf %min3A_985, %max3A_1015 : vector<32x128xf32>
      %select_n3A_1020 = arith.select %lt3A_1018, %select_n3A_1017, %select_n3A_986 : vector<32x128xi1>, vector<32x128xf32>
      %scan3A_1021 = arith.constant 12 : i32
      %scan3A_1022 = arith.addi %scan3A_604, %scan3A_1021 : i32
      %mul3A_1023 = arith.constant 128 : i32
      %mul3A_1024 = arith.muli %scan3A_1022, %mul3A_1023 : i32
      %multiple_of3A_1025 = tpu.assume_multiple %mul3A_1024, 128 : i32
      %get3A_1026 = arith.constant 0 : index
      %get3A_1027 = arith.index_cast %multiple_of3A_1025 : i32 to index
      %get3A_1028 = vector.load %arg4[%get3A_1026, %get3A_1027] : memref<32x100096xf32, #tpu.memory_space<vmem>>, vector<32x128xf32>
      %convert_element_type3A_1029 = arith.sitofp %scan3A_1022 : i32 to f32
      %lt3A_1030 = arith.cmpf olt, %get3A_1028, %min3A_997 : vector<32x128xf32>
      %min3A_1031 = arith.minimumf %min3A_997, %get3A_1028 : vector<32x128xf32>
      %max3A_1032 = arith.maximumf %min3A_997, %get3A_1028 : vector<32x128xf32>
      %broadcast_in_dim3A_1033 = vector.broadcast %convert_element_type3A_1029 : f32 to vector<32x128xf32>
      %select_n3A_1034 = arith.select %lt3A_1030, %broadcast_in_dim3A_1033, %select_n3A_1000 : vector<32x128xi1>, vector<32x128xf32>
      %broadcast_in_dim3A_1035 = vector.broadcast %convert_element_type3A_1029 : f32 to vector<32x128xf32>
      %select_n3A_1036 = arith.select %lt3A_1030, %select_n3A_1000, %broadcast_in_dim3A_1035 : vector<32x128xi1>, vector<32x128xf32>
      %lt3A_1037 = arith.cmpf olt, %max3A_1032, %min3A_1004 : vector<32x128xf32>
      %min3A_1038 = arith.minimumf %min3A_1004, %max3A_1032 : vector<32x128xf32>
      %max3A_1039 = arith.maximumf %min3A_1004, %max3A_1032 : vector<32x128xf32>
      %select_n3A_1040 = arith.select %lt3A_1037, %select_n3A_1036, %select_n3A_1006 : vector<32x128xi1>, vector<32x128xf32>
      %select_n3A_1041 = arith.select %lt3A_1037, %select_n3A_1006, %select_n3A_1036 : vector<32x128xi1>, vector<32x128xf32>
      %lt3A_1042 = arith.cmpf olt, %max3A_1039, %min3A_1009 : vector<32x128xf32>
      %min3A_1043 = arith.minimumf %min3A_1009, %max3A_1039 : vector<32x128xf32>
      %max3A_1044 = arith.maximumf %min3A_1009, %max3A_1039 : vector<32x128xf32>
      %select_n3A_1045 = arith.select %lt3A_1042, %select_n3A_1041, %select_n3A_1011 : vector<32x128xi1>, vector<32x128xf32>
      %select_n3A_1046 = arith.select %lt3A_1042, %select_n3A_1011, %select_n3A_1041 : vector<32x128xi1>, vector<32x128xf32>
      %lt3A_1047 = arith.cmpf olt, %max3A_1044, %min3A_1014 : vector<32x128xf32>
      %min3A_1048 = arith.minimumf %min3A_1014, %max3A_1044 : vector<32x128xf32>
      %max3A_1049 = arith.maximumf %min3A_1014, %max3A_1044 : vector<32x128xf32>
      %select_n3A_1050 = arith.select %lt3A_1047, %select_n3A_1046, %select_n3A_1016 : vector<32x128xi1>, vector<32x128xf32>
      %select_n3A_1051 = arith.select %lt3A_1047, %select_n3A_1016, %select_n3A_1046 : vector<32x128xi1>, vector<32x128xf32>
      %lt3A_1052 = arith.cmpf olt, %max3A_1049, %min3A_1019 : vector<32x128xf32>
      %min3A_1053 = arith.minimumf %min3A_1019, %max3A_1049 : vector<32x128xf32>
      %select_n3A_1054 = arith.select %lt3A_1052, %select_n3A_1051, %select_n3A_1020 : vector<32x128xi1>, vector<32x128xf32>
      %scan3A_1055 = arith.constant 13 : i32
      %scan3A_1056 = arith.addi %scan3A_604, %scan3A_1055 : i32
      %mul3A_1057 = arith.constant 128 : i32
      %mul3A_1058 = arith.muli %scan3A_1056, %mul3A_1057 : i32
      %multiple_of3A_1059 = tpu.assume_multiple %mul3A_1058, 128 : i32
      %get3A_1060 = arith.constant 0 : index
      %get3A_1061 = arith.index_cast %multiple_of3A_1059 : i32 to index
      %get3A_1062 = vector.load %arg4[%get3A_1060, %get3A_1061] : memref<32x100096xf32, #tpu.memory_space<vmem>>, vector<32x128xf32>
      %convert_element_type3A_1063 = arith.sitofp %scan3A_1056 : i32 to f32
      %lt3A_1064 = arith.cmpf olt, %get3A_1062, %min3A_1031 : vector<32x128xf32>
      %min3A_1065 = arith.minimumf %min3A_1031, %get3A_1062 : vector<32x128xf32>
      %max3A_1066 = arith.maximumf %min3A_1031, %get3A_1062 : vector<32x128xf32>
      %broadcast_in_dim3A_1067 = vector.broadcast %convert_element_type3A_1063 : f32 to vector<32x128xf32>
      %select_n3A_1068 = arith.select %lt3A_1064, %broadcast_in_dim3A_1067, %select_n3A_1034 : vector<32x128xi1>, vector<32x128xf32>
      %broadcast_in_dim3A_1069 = vector.broadcast %convert_element_type3A_1063 : f32 to vector<32x128xf32>
      %select_n3A_1070 = arith.select %lt3A_1064, %select_n3A_1034, %broadcast_in_dim3A_1069 : vector<32x128xi1>, vector<32x128xf32>
      %lt3A_1071 = arith.cmpf olt, %max3A_1066, %min3A_1038 : vector<32x128xf32>
      %min3A_1072 = arith.minimumf %min3A_1038, %max3A_1066 : vector<32x128xf32>
      %max3A_1073 = arith.maximumf %min3A_1038, %max3A_1066 : vector<32x128xf32>
      %select_n3A_1074 = arith.select %lt3A_1071, %select_n3A_1070, %select_n3A_1040 : vector<32x128xi1>, vector<32x128xf32>
      %select_n3A_1075 = arith.select %lt3A_1071, %select_n3A_1040, %select_n3A_1070 : vector<32x128xi1>, vector<32x128xf32>
      %lt3A_1076 = arith.cmpf olt, %max3A_1073, %min3A_1043 : vector<32x128xf32>
      %min3A_1077 = arith.minimumf %min3A_1043, %max3A_1073 : vector<32x128xf32>
      %max3A_1078 = arith.maximumf %min3A_1043, %max3A_1073 : vector<32x128xf32>
      %select_n3A_1079 = arith.select %lt3A_1076, %select_n3A_1075, %select_n3A_1045 : vector<32x128xi1>, vector<32x128xf32>
      %select_n3A_1080 = arith.select %lt3A_1076, %select_n3A_1045, %select_n3A_1075 : vector<32x128xi1>, vector<32x128xf32>
      %lt3A_1081 = arith.cmpf olt, %max3A_1078, %min3A_1048 : vector<32x128xf32>
      %min3A_1082 = arith.minimumf %min3A_1048, %max3A_1078 : vector<32x128xf32>
      %max3A_1083 = arith.maximumf %min3A_1048, %max3A_1078 : vector<32x128xf32>
      %select_n3A_1084 = arith.select %lt3A_1081, %select_n3A_1080, %select_n3A_1050 : vector<32x128xi1>, vector<32x128xf32>
      %select_n3A_1085 = arith.select %lt3A_1081, %select_n3A_1050, %select_n3A_1080 : vector<32x128xi1>, vector<32x128xf32>
      %lt3A_1086 = arith.cmpf olt, %max3A_1083, %min3A_1053 : vector<32x128xf32>
      %min3A_1087 = arith.minimumf %min3A_1053, %max3A_1083 : vector<32x128xf32>
      %select_n3A_1088 = arith.select %lt3A_1086, %select_n3A_1085, %select_n3A_1054 : vector<32x128xi1>, vector<32x128xf32>
      %scan3A_1089 = arith.constant 14 : i32
      %scan3A_1090 = arith.addi %scan3A_604, %scan3A_1089 : i32
      %mul3A_1091 = arith.constant 128 : i32
      %mul3A_1092 = arith.muli %scan3A_1090, %mul3A_1091 : i32
      %multiple_of3A_1093 = tpu.assume_multiple %mul3A_1092, 128 : i32
      %get3A_1094 = arith.constant 0 : index
      %get3A_1095 = arith.index_cast %multiple_of3A_1093 : i32 to index
      %get3A_1096 = vector.load %arg4[%get3A_1094, %get3A_1095] : memref<32x100096xf32, #tpu.memory_space<vmem>>, vector<32x128xf32>
      %convert_element_type3A_1097 = arith.sitofp %scan3A_1090 : i32 to f32
      %lt3A_1098 = arith.cmpf olt, %get3A_1096, %min3A_1065 : vector<32x128xf32>
      %min3A_1099 = arith.minimumf %min3A_1065, %get3A_1096 : vector<32x128xf32>
      %max3A_1100 = arith.maximumf %min3A_1065, %get3A_1096 : vector<32x128xf32>
      %broadcast_in_dim3A_1101 = vector.broadcast %convert_element_type3A_1097 : f32 to vector<32x128xf32>
      %select_n3A_1102 = arith.select %lt3A_1098, %broadcast_in_dim3A_1101, %select_n3A_1068 : vector<32x128xi1>, vector<32x128xf32>
      %broadcast_in_dim3A_1103 = vector.broadcast %convert_element_type3A_1097 : f32 to vector<32x128xf32>
      %select_n3A_1104 = arith.select %lt3A_1098, %select_n3A_1068, %broadcast_in_dim3A_1103 : vector<32x128xi1>, vector<32x128xf32>
      %lt3A_1105 = arith.cmpf olt, %max3A_1100, %min3A_1072 : vector<32x128xf32>
      %min3A_1106 = arith.minimumf %min3A_1072, %max3A_1100 : vector<32x128xf32>
      %max3A_1107 = arith.maximumf %min3A_1072, %max3A_1100 : vector<32x128xf32>
      %select_n3A_1108 = arith.select %lt3A_1105, %select_n3A_1104, %select_n3A_1074 : vector<32x128xi1>, vector<32x128xf32>
      %select_n3A_1109 = arith.select %lt3A_1105, %select_n3A_1074, %select_n3A_1104 : vector<32x128xi1>, vector<32x128xf32>
      %lt3A_1110 = arith.cmpf olt, %max3A_1107, %min3A_1077 : vector<32x128xf32>
      %min3A_1111 = arith.minimumf %min3A_1077, %max3A_1107 : vector<32x128xf32>
      %max3A_1112 = arith.maximumf %min3A_1077, %max3A_1107 : vector<32x128xf32>
      %select_n3A_1113 = arith.select %lt3A_1110, %select_n3A_1109, %select_n3A_1079 : vector<32x128xi1>, vector<32x128xf32>
      %select_n3A_1114 = arith.select %lt3A_1110, %select_n3A_1079, %select_n3A_1109 : vector<32x128xi1>, vector<32x128xf32>
      %lt3A_1115 = arith.cmpf olt, %max3A_1112, %min3A_1082 : vector<32x128xf32>
      %min3A_1116 = arith.minimumf %min3A_1082, %max3A_1112 : vector<32x128xf32>
      %max3A_1117 = arith.maximumf %min3A_1082, %max3A_1112 : vector<32x128xf32>
      %select_n3A_1118 = arith.select %lt3A_1115, %select_n3A_1114, %select_n3A_1084 : vector<32x128xi1>, vector<32x128xf32>
      %select_n3A_1119 = arith.select %lt3A_1115, %select_n3A_1084, %select_n3A_1114 : vector<32x128xi1>, vector<32x128xf32>
      %lt3A_1120 = arith.cmpf olt, %max3A_1117, %min3A_1087 : vector<32x128xf32>
      %min3A_1121 = arith.minimumf %min3A_1087, %max3A_1117 : vector<32x128xf32>
      %select_n3A_1122 = arith.select %lt3A_1120, %select_n3A_1119, %select_n3A_1088 : vector<32x128xi1>, vector<32x128xf32>
      %scan3A_1123 = arith.constant 15 : i32
      %scan3A_1124 = arith.addi %scan3A_604, %scan3A_1123 : i32
      %mul3A_1125 = arith.constant 128 : i32
      %mul3A_1126 = arith.muli %scan3A_1124, %mul3A_1125 : i32
      %multiple_of3A_1127 = tpu.assume_multiple %mul3A_1126, 128 : i32
      %get3A_1128 = arith.constant 0 : index
      %get3A_1129 = arith.index_cast %multiple_of3A_1127 : i32 to index
      %get3A_1130 = vector.load %arg4[%get3A_1128, %get3A_1129] : memref<32x100096xf32, #tpu.memory_space<vmem>>, vector<32x128xf32>
      %convert_element_type3A_1131 = arith.sitofp %scan3A_1124 : i32 to f32
      %lt3A_1132 = arith.cmpf olt, %get3A_1130, %min3A_1099 : vector<32x128xf32>
      %min3A_1133 = arith.minimumf %min3A_1099, %get3A_1130 : vector<32x128xf32>
      %max3A_1134 = arith.maximumf %min3A_1099, %get3A_1130 : vector<32x128xf32>
      %broadcast_in_dim3A_1135 = vector.broadcast %convert_element_type3A_1131 : f32 to vector<32x128xf32>
      %select_n3A_1136 = arith.select %lt3A_1132, %broadcast_in_dim3A_1135, %select_n3A_1102 : vector<32x128xi1>, vector<32x128xf32>
      %broadcast_in_dim3A_1137 = vector.broadcast %convert_element_type3A_1131 : f32 to vector<32x128xf32>
      %select_n3A_1138 = arith.select %lt3A_1132, %select_n3A_1102, %broadcast_in_dim3A_1137 : vector<32x128xi1>, vector<32x128xf32>
      %lt3A_1139 = arith.cmpf olt, %max3A_1134, %min3A_1106 : vector<32x128xf32>
      %min3A_1140 = arith.minimumf %min3A_1106, %max3A_1134 : vector<32x128xf32>
      %max3A_1141 = arith.maximumf %min3A_1106, %max3A_1134 : vector<32x128xf32>
      %select_n3A_1142 = arith.select %lt3A_1139, %select_n3A_1138, %select_n3A_1108 : vector<32x128xi1>, vector<32x128xf32>
      %select_n3A_1143 = arith.select %lt3A_1139, %select_n3A_1108, %select_n3A_1138 : vector<32x128xi1>, vector<32x128xf32>
      %lt3A_1144 = arith.cmpf olt, %max3A_1141, %min3A_1111 : vector<32x128xf32>
      %min3A_1145 = arith.minimumf %min3A_1111, %max3A_1141 : vector<32x128xf32>
      %max3A_1146 = arith.maximumf %min3A_1111, %max3A_1141 : vector<32x128xf32>
      %select_n3A_1147 = arith.select %lt3A_1144, %select_n3A_1143, %select_n3A_1113 : vector<32x128xi1>, vector<32x128xf32>
      %select_n3A_1148 = arith.select %lt3A_1144, %select_n3A_1113, %select_n3A_1143 : vector<32x128xi1>, vector<32x128xf32>
      %lt3A_1149 = arith.cmpf olt, %max3A_1146, %min3A_1116 : vector<32x128xf32>
      %min3A_1150 = arith.minimumf %min3A_1116, %max3A_1146 : vector<32x128xf32>
      %max3A_1151 = arith.maximumf %min3A_1116, %max3A_1146 : vector<32x128xf32>
      %select_n3A_1152 = arith.select %lt3A_1149, %select_n3A_1148, %select_n3A_1118 : vector<32x128xi1>, vector<32x128xf32>
      %select_n3A_1153 = arith.select %lt3A_1149, %select_n3A_1118, %select_n3A_1148 : vector<32x128xi1>, vector<32x128xf32>
      %lt3A_1154 = arith.cmpf olt, %max3A_1151, %min3A_1121 : vector<32x128xf32>
      %min3A_1155 = arith.minimumf %min3A_1121, %max3A_1151 : vector<32x128xf32>
      %select_n3A_1156 = arith.select %lt3A_1154, %select_n3A_1153, %select_n3A_1122 : vector<32x128xi1>, vector<32x128xf32>
      scf.yield %min3A_1133, %min3A_1140, %min3A_1145, %min3A_1150, %min3A_1155, %select_n3A_1136, %select_n3A_1142, %select_n3A_1147, %select_n3A_1152, %select_n3A_1156 : vector<32x128xf32>, vector<32x128xf32>, vector<32x128xf32>, vector<32x128xf32>, vector<32x128xf32>, vector<32x128xf32>, vector<32x128xf32>, vector<32x128xf32>, vector<32x128xf32>, vector<32x128xf32>
    }
    %scan3A_26 = arith.constant 768 : i32
    %scan3A_27 = arith.addi %scan3A, %scan3A_26 : i32
    %mul3A_28 = arith.constant 128 : i32
    %mul3A_29 = arith.muli %scan3A_27, %mul3A_28 : i32
    %multiple_of3A = tpu.assume_multiple %mul3A_29, 128 : i32
    %get3A_30 = arith.constant 0 : index
    %get3A_31 = arith.index_cast %multiple_of3A : i32 to index
    %get3A_32 = vector.load %arg4[%get3A_30, %get3A_31] : memref<32x100096xf32, #tpu.memory_space<vmem>>, vector<32x128xf32>
    %convert_element_type3A = arith.sitofp %scan3A_27 : i32 to f32
    %lt3A = arith.cmpf olt, %get3A_32, %scan3A_25#0 : vector<32x128xf32>
    %min3A = arith.minimumf %scan3A_25#0, %get3A_32 : vector<32x128xf32>
    %max3A = arith.maximumf %scan3A_25#0, %get3A_32 : vector<32x128xf32>
    %broadcast_in_dim3A_33 = vector.broadcast %convert_element_type3A : f32 to vector<32x128xf32>
    %select_n3A = arith.select %lt3A, %broadcast_in_dim3A_33, %scan3A_25#5 : vector<32x128xi1>, vector<32x128xf32>
    %broadcast_in_dim3A_34 = vector.broadcast %convert_element_type3A : f32 to vector<32x128xf32>
    %select_n3A_35 = arith.select %lt3A, %scan3A_25#5, %broadcast_in_dim3A_34 : vector<32x128xi1>, vector<32x128xf32>
    %lt3A_36 = arith.cmpf olt, %max3A, %scan3A_25#1 : vector<32x128xf32>
    %min3A_37 = arith.minimumf %scan3A_25#1, %max3A : vector<32x128xf32>
    %max3A_38 = arith.maximumf %scan3A_25#1, %max3A : vector<32x128xf32>
    %select_n3A_39 = arith.select %lt3A_36, %select_n3A_35, %scan3A_25#6 : vector<32x128xi1>, vector<32x128xf32>
    %select_n3A_40 = arith.select %lt3A_36, %scan3A_25#6, %select_n3A_35 : vector<32x128xi1>, vector<32x128xf32>
    %lt3A_41 = arith.cmpf olt, %max3A_38, %scan3A_25#2 : vector<32x128xf32>
    %min3A_42 = arith.minimumf %scan3A_25#2, %max3A_38 : vector<32x128xf32>
    %max3A_43 = arith.maximumf %scan3A_25#2, %max3A_38 : vector<32x128xf32>
    %select_n3A_44 = arith.select %lt3A_41, %select_n3A_40, %scan3A_25#7 : vector<32x128xi1>, vector<32x128xf32>
    %select_n3A_45 = arith.select %lt3A_41, %scan3A_25#7, %select_n3A_40 : vector<32x128xi1>, vector<32x128xf32>
    %lt3A_46 = arith.cmpf olt, %max3A_43, %scan3A_25#3 : vector<32x128xf32>
    %min3A_47 = arith.minimumf %scan3A_25#3, %max3A_43 : vector<32x128xf32>
    %max3A_48 = arith.maximumf %scan3A_25#3, %max3A_43 : vector<32x128xf32>
    %select_n3A_49 = arith.select %lt3A_46, %select_n3A_45, %scan3A_25#8 : vector<32x128xi1>, vector<32x128xf32>
    %select_n3A_50 = arith.select %lt3A_46, %scan3A_25#8, %select_n3A_45 : vector<32x128xi1>, vector<32x128xf32>
    %lt3A_51 = arith.cmpf olt, %max3A_48, %scan3A_25#4 : vector<32x128xf32>
    %min3A_52 = arith.minimumf %scan3A_25#4, %max3A_48 : vector<32x128xf32>
    %select_n3A_53 = arith.select %lt3A_51, %select_n3A_50, %scan3A_25#9 : vector<32x128xi1>, vector<32x128xf32>
    %scan3A_54 = arith.constant 769 : i32
    %scan3A_55 = arith.addi %scan3A, %scan3A_54 : i32
    %mul3A_56 = arith.constant 128 : i32
    %mul3A_57 = arith.muli %scan3A_55, %mul3A_56 : i32
    %multiple_of3A_58 = tpu.assume_multiple %mul3A_57, 128 : i32
    %get3A_59 = arith.constant 0 : index
    %get3A_60 = arith.index_cast %multiple_of3A_58 : i32 to index
    %get3A_61 = vector.load %arg4[%get3A_59, %get3A_60] : memref<32x100096xf32, #tpu.memory_space<vmem>>, vector<32x128xf32>
    %convert_element_type3A_62 = arith.sitofp %scan3A_55 : i32 to f32
    %lt3A_63 = arith.cmpf olt, %get3A_61, %min3A : vector<32x128xf32>
    %min3A_64 = arith.minimumf %min3A, %get3A_61 : vector<32x128xf32>
    %max3A_65 = arith.maximumf %min3A, %get3A_61 : vector<32x128xf32>
    %broadcast_in_dim3A_66 = vector.broadcast %convert_element_type3A_62 : f32 to vector<32x128xf32>
    %select_n3A_67 = arith.select %lt3A_63, %broadcast_in_dim3A_66, %select_n3A : vector<32x128xi1>, vector<32x128xf32>
    %broadcast_in_dim3A_68 = vector.broadcast %convert_element_type3A_62 : f32 to vector<32x128xf32>
    %select_n3A_69 = arith.select %lt3A_63, %select_n3A, %broadcast_in_dim3A_68 : vector<32x128xi1>, vector<32x128xf32>
    %lt3A_70 = arith.cmpf olt, %max3A_65, %min3A_37 : vector<32x128xf32>
    %min3A_71 = arith.minimumf %min3A_37, %max3A_65 : vector<32x128xf32>
    %max3A_72 = arith.maximumf %min3A_37, %max3A_65 : vector<32x128xf32>
    %select_n3A_73 = arith.select %lt3A_70, %select_n3A_69, %select_n3A_39 : vector<32x128xi1>, vector<32x128xf32>
    %select_n3A_74 = arith.select %lt3A_70, %select_n3A_39, %select_n3A_69 : vector<32x128xi1>, vector<32x128xf32>
    %lt3A_75 = arith.cmpf olt, %max3A_72, %min3A_42 : vector<32x128xf32>
    %min3A_76 = arith.minimumf %min3A_42, %max3A_72 : vector<32x128xf32>
    %max3A_77 = arith.maximumf %min3A_42, %max3A_72 : vector<32x128xf32>
    %select_n3A_78 = arith.select %lt3A_75, %select_n3A_74, %select_n3A_44 : vector<32x128xi1>, vector<32x128xf32>
    %select_n3A_79 = arith.select %lt3A_75, %select_n3A_44, %select_n3A_74 : vector<32x128xi1>, vector<32x128xf32>
    %lt3A_80 = arith.cmpf olt, %max3A_77, %min3A_47 : vector<32x128xf32>
    %min3A_81 = arith.minimumf %min3A_47, %max3A_77 : vector<32x128xf32>
    %max3A_82 = arith.maximumf %min3A_47, %max3A_77 : vector<32x128xf32>
    %select_n3A_83 = arith.select %lt3A_80, %select_n3A_79, %select_n3A_49 : vector<32x128xi1>, vector<32x128xf32>
    %select_n3A_84 = arith.select %lt3A_80, %select_n3A_49, %select_n3A_79 : vector<32x128xi1>, vector<32x128xf32>
    %lt3A_85 = arith.cmpf olt, %max3A_82, %min3A_52 : vector<32x128xf32>
    %min3A_86 = arith.minimumf %min3A_52, %max3A_82 : vector<32x128xf32>
    %select_n3A_87 = arith.select %lt3A_85, %select_n3A_84, %select_n3A_53 : vector<32x128xi1>, vector<32x128xf32>
    %scan3A_88 = arith.constant 770 : i32
    %scan3A_89 = arith.addi %scan3A, %scan3A_88 : i32
    %mul3A_90 = arith.constant 128 : i32
    %mul3A_91 = arith.muli %scan3A_89, %mul3A_90 : i32
    %multiple_of3A_92 = tpu.assume_multiple %mul3A_91, 128 : i32
    %get3A_93 = arith.constant 0 : index
    %get3A_94 = arith.index_cast %multiple_of3A_92 : i32 to index
    %get3A_95 = vector.load %arg4[%get3A_93, %get3A_94] : memref<32x100096xf32, #tpu.memory_space<vmem>>, vector<32x128xf32>
    %convert_element_type3A_96 = arith.sitofp %scan3A_89 : i32 to f32
    %lt3A_97 = arith.cmpf olt, %get3A_95, %min3A_64 : vector<32x128xf32>
    %min3A_98 = arith.minimumf %min3A_64, %get3A_95 : vector<32x128xf32>
    %max3A_99 = arith.maximumf %min3A_64, %get3A_95 : vector<32x128xf32>
    %broadcast_in_dim3A_100 = vector.broadcast %convert_element_type3A_96 : f32 to vector<32x128xf32>
    %select_n3A_101 = arith.select %lt3A_97, %broadcast_in_dim3A_100, %select_n3A_67 : vector<32x128xi1>, vector<32x128xf32>
    %broadcast_in_dim3A_102 = vector.broadcast %convert_element_type3A_96 : f32 to vector<32x128xf32>
    %select_n3A_103 = arith.select %lt3A_97, %select_n3A_67, %broadcast_in_dim3A_102 : vector<32x128xi1>, vector<32x128xf32>
    %lt3A_104 = arith.cmpf olt, %max3A_99, %min3A_71 : vector<32x128xf32>
    %min3A_105 = arith.minimumf %min3A_71, %max3A_99 : vector<32x128xf32>
    %max3A_106 = arith.maximumf %min3A_71, %max3A_99 : vector<32x128xf32>
    %select_n3A_107 = arith.select %lt3A_104, %select_n3A_103, %select_n3A_73 : vector<32x128xi1>, vector<32x128xf32>
    %select_n3A_108 = arith.select %lt3A_104, %select_n3A_73, %select_n3A_103 : vector<32x128xi1>, vector<32x128xf32>
    %lt3A_109 = arith.cmpf olt, %max3A_106, %min3A_76 : vector<32x128xf32>
    %min3A_110 = arith.minimumf %min3A_76, %max3A_106 : vector<32x128xf32>
    %max3A_111 = arith.maximumf %min3A_76, %max3A_106 : vector<32x128xf32>
    %select_n3A_112 = arith.select %lt3A_109, %select_n3A_108, %select_n3A_78 : vector<32x128xi1>, vector<32x128xf32>
    %select_n3A_113 = arith.select %lt3A_109, %select_n3A_78, %select_n3A_108 : vector<32x128xi1>, vector<32x128xf32>
    %lt3A_114 = arith.cmpf olt, %max3A_111, %min3A_81 : vector<32x128xf32>
    %min3A_115 = arith.minimumf %min3A_81, %max3A_111 : vector<32x128xf32>
    %max3A_116 = arith.maximumf %min3A_81, %max3A_111 : vector<32x128xf32>
    %select_n3A_117 = arith.select %lt3A_114, %select_n3A_113, %select_n3A_83 : vector<32x128xi1>, vector<32x128xf32>
    %select_n3A_118 = arith.select %lt3A_114, %select_n3A_83, %select_n3A_113 : vector<32x128xi1>, vector<32x128xf32>
    %lt3A_119 = arith.cmpf olt, %max3A_116, %min3A_86 : vector<32x128xf32>
    %min3A_120 = arith.minimumf %min3A_86, %max3A_116 : vector<32x128xf32>
    %select_n3A_121 = arith.select %lt3A_119, %select_n3A_118, %select_n3A_87 : vector<32x128xi1>, vector<32x128xf32>
    %scan3A_122 = arith.constant 771 : i32
    %scan3A_123 = arith.addi %scan3A, %scan3A_122 : i32
    %mul3A_124 = arith.constant 128 : i32
    %mul3A_125 = arith.muli %scan3A_123, %mul3A_124 : i32
    %multiple_of3A_126 = tpu.assume_multiple %mul3A_125, 128 : i32
    %get3A_127 = arith.constant 0 : index
    %get3A_128 = arith.index_cast %multiple_of3A_126 : i32 to index
    %get3A_129 = vector.load %arg4[%get3A_127, %get3A_128] : memref<32x100096xf32, #tpu.memory_space<vmem>>, vector<32x128xf32>
    %convert_element_type3A_130 = arith.sitofp %scan3A_123 : i32 to f32
    %lt3A_131 = arith.cmpf olt, %get3A_129, %min3A_98 : vector<32x128xf32>
    %min3A_132 = arith.minimumf %min3A_98, %get3A_129 : vector<32x128xf32>
    %max3A_133 = arith.maximumf %min3A_98, %get3A_129 : vector<32x128xf32>
    %broadcast_in_dim3A_134 = vector.broadcast %convert_element_type3A_130 : f32 to vector<32x128xf32>
    %select_n3A_135 = arith.select %lt3A_131, %broadcast_in_dim3A_134, %select_n3A_101 : vector<32x128xi1>, vector<32x128xf32>
    %broadcast_in_dim3A_136 = vector.broadcast %convert_element_type3A_130 : f32 to vector<32x128xf32>
    %select_n3A_137 = arith.select %lt3A_131, %select_n3A_101, %broadcast_in_dim3A_136 : vector<32x128xi1>, vector<32x128xf32>
    %lt3A_138 = arith.cmpf olt, %max3A_133, %min3A_105 : vector<32x128xf32>
    %min3A_139 = arith.minimumf %min3A_105, %max3A_133 : vector<32x128xf32>
    %max3A_140 = arith.maximumf %min3A_105, %max3A_133 : vector<32x128xf32>
    %select_n3A_141 = arith.select %lt3A_138, %select_n3A_137, %select_n3A_107 : vector<32x128xi1>, vector<32x128xf32>
    %select_n3A_142 = arith.select %lt3A_138, %select_n3A_107, %select_n3A_137 : vector<32x128xi1>, vector<32x128xf32>
    %lt3A_143 = arith.cmpf olt, %max3A_140, %min3A_110 : vector<32x128xf32>
    %min3A_144 = arith.minimumf %min3A_110, %max3A_140 : vector<32x128xf32>
    %max3A_145 = arith.maximumf %min3A_110, %max3A_140 : vector<32x128xf32>
    %select_n3A_146 = arith.select %lt3A_143, %select_n3A_142, %select_n3A_112 : vector<32x128xi1>, vector<32x128xf32>
    %select_n3A_147 = arith.select %lt3A_143, %select_n3A_112, %select_n3A_142 : vector<32x128xi1>, vector<32x128xf32>
    %lt3A_148 = arith.cmpf olt, %max3A_145, %min3A_115 : vector<32x128xf32>
    %min3A_149 = arith.minimumf %min3A_115, %max3A_145 : vector<32x128xf32>
    %max3A_150 = arith.maximumf %min3A_115, %max3A_145 : vector<32x128xf32>
    %select_n3A_151 = arith.select %lt3A_148, %select_n3A_147, %select_n3A_117 : vector<32x128xi1>, vector<32x128xf32>
    %select_n3A_152 = arith.select %lt3A_148, %select_n3A_117, %select_n3A_147 : vector<32x128xi1>, vector<32x128xf32>
    %lt3A_153 = arith.cmpf olt, %max3A_150, %min3A_120 : vector<32x128xf32>
    %min3A_154 = arith.minimumf %min3A_120, %max3A_150 : vector<32x128xf32>
    %select_n3A_155 = arith.select %lt3A_153, %select_n3A_152, %select_n3A_121 : vector<32x128xi1>, vector<32x128xf32>
    %scan3A_156 = arith.constant 772 : i32
    %scan3A_157 = arith.addi %scan3A, %scan3A_156 : i32
    %mul3A_158 = arith.constant 128 : i32
    %mul3A_159 = arith.muli %scan3A_157, %mul3A_158 : i32
    %multiple_of3A_160 = tpu.assume_multiple %mul3A_159, 128 : i32
    %get3A_161 = arith.constant 0 : index
    %get3A_162 = arith.index_cast %multiple_of3A_160 : i32 to index
    %get3A_163 = vector.load %arg4[%get3A_161, %get3A_162] : memref<32x100096xf32, #tpu.memory_space<vmem>>, vector<32x128xf32>
    %convert_element_type3A_164 = arith.sitofp %scan3A_157 : i32 to f32
    %lt3A_165 = arith.cmpf olt, %get3A_163, %min3A_132 : vector<32x128xf32>
    %min3A_166 = arith.minimumf %min3A_132, %get3A_163 : vector<32x128xf32>
    %max3A_167 = arith.maximumf %min3A_132, %get3A_163 : vector<32x128xf32>
    %broadcast_in_dim3A_168 = vector.broadcast %convert_element_type3A_164 : f32 to vector<32x128xf32>
    %select_n3A_169 = arith.select %lt3A_165, %broadcast_in_dim3A_168, %select_n3A_135 : vector<32x128xi1>, vector<32x128xf32>
    %broadcast_in_dim3A_170 = vector.broadcast %convert_element_type3A_164 : f32 to vector<32x128xf32>
    %select_n3A_171 = arith.select %lt3A_165, %select_n3A_135, %broadcast_in_dim3A_170 : vector<32x128xi1>, vector<32x128xf32>
    %lt3A_172 = arith.cmpf olt, %max3A_167, %min3A_139 : vector<32x128xf32>
    %min3A_173 = arith.minimumf %min3A_139, %max3A_167 : vector<32x128xf32>
    %max3A_174 = arith.maximumf %min3A_139, %max3A_167 : vector<32x128xf32>
    %select_n3A_175 = arith.select %lt3A_172, %select_n3A_171, %select_n3A_141 : vector<32x128xi1>, vector<32x128xf32>
    %select_n3A_176 = arith.select %lt3A_172, %select_n3A_141, %select_n3A_171 : vector<32x128xi1>, vector<32x128xf32>
    %lt3A_177 = arith.cmpf olt, %max3A_174, %min3A_144 : vector<32x128xf32>
    %min3A_178 = arith.minimumf %min3A_144, %max3A_174 : vector<32x128xf32>
    %max3A_179 = arith.maximumf %min3A_144, %max3A_174 : vector<32x128xf32>
    %select_n3A_180 = arith.select %lt3A_177, %select_n3A_176, %select_n3A_146 : vector<32x128xi1>, vector<32x128xf32>
    %select_n3A_181 = arith.select %lt3A_177, %select_n3A_146, %select_n3A_176 : vector<32x128xi1>, vector<32x128xf32>
    %lt3A_182 = arith.cmpf olt, %max3A_179, %min3A_149 : vector<32x128xf32>
    %min3A_183 = arith.minimumf %min3A_149, %max3A_179 : vector<32x128xf32>
    %max3A_184 = arith.maximumf %min3A_149, %max3A_179 : vector<32x128xf32>
    %select_n3A_185 = arith.select %lt3A_182, %select_n3A_181, %select_n3A_151 : vector<32x128xi1>, vector<32x128xf32>
    %select_n3A_186 = arith.select %lt3A_182, %select_n3A_151, %select_n3A_181 : vector<32x128xi1>, vector<32x128xf32>
    %lt3A_187 = arith.cmpf olt, %max3A_184, %min3A_154 : vector<32x128xf32>
    %min3A_188 = arith.minimumf %min3A_154, %max3A_184 : vector<32x128xf32>
    %select_n3A_189 = arith.select %lt3A_187, %select_n3A_186, %select_n3A_155 : vector<32x128xi1>, vector<32x128xf32>
    %scan3A_190 = arith.constant 773 : i32
    %scan3A_191 = arith.addi %scan3A, %scan3A_190 : i32
    %mul3A_192 = arith.constant 128 : i32
    %mul3A_193 = arith.muli %scan3A_191, %mul3A_192 : i32
    %multiple_of3A_194 = tpu.assume_multiple %mul3A_193, 128 : i32
    %get3A_195 = arith.constant 0 : index
    %get3A_196 = arith.index_cast %multiple_of3A_194 : i32 to index
    %get3A_197 = vector.load %arg4[%get3A_195, %get3A_196] : memref<32x100096xf32, #tpu.memory_space<vmem>>, vector<32x128xf32>
    %convert_element_type3A_198 = arith.sitofp %scan3A_191 : i32 to f32
    %lt3A_199 = arith.cmpf olt, %get3A_197, %min3A_166 : vector<32x128xf32>
    %min3A_200 = arith.minimumf %min3A_166, %get3A_197 : vector<32x128xf32>
    %max3A_201 = arith.maximumf %min3A_166, %get3A_197 : vector<32x128xf32>
    %broadcast_in_dim3A_202 = vector.broadcast %convert_element_type3A_198 : f32 to vector<32x128xf32>
    %select_n3A_203 = arith.select %lt3A_199, %broadcast_in_dim3A_202, %select_n3A_169 : vector<32x128xi1>, vector<32x128xf32>
    %broadcast_in_dim3A_204 = vector.broadcast %convert_element_type3A_198 : f32 to vector<32x128xf32>
    %select_n3A_205 = arith.select %lt3A_199, %select_n3A_169, %broadcast_in_dim3A_204 : vector<32x128xi1>, vector<32x128xf32>
    %lt3A_206 = arith.cmpf olt, %max3A_201, %min3A_173 : vector<32x128xf32>
    %min3A_207 = arith.minimumf %min3A_173, %max3A_201 : vector<32x128xf32>
    %max3A_208 = arith.maximumf %min3A_173, %max3A_201 : vector<32x128xf32>
    %select_n3A_209 = arith.select %lt3A_206, %select_n3A_205, %select_n3A_175 : vector<32x128xi1>, vector<32x128xf32>
    %select_n3A_210 = arith.select %lt3A_206, %select_n3A_175, %select_n3A_205 : vector<32x128xi1>, vector<32x128xf32>
    %lt3A_211 = arith.cmpf olt, %max3A_208, %min3A_178 : vector<32x128xf32>
    %min3A_212 = arith.minimumf %min3A_178, %max3A_208 : vector<32x128xf32>
    %max3A_213 = arith.maximumf %min3A_178, %max3A_208 : vector<32x128xf32>
    %select_n3A_214 = arith.select %lt3A_211, %select_n3A_210, %select_n3A_180 : vector<32x128xi1>, vector<32x128xf32>
    %select_n3A_215 = arith.select %lt3A_211, %select_n3A_180, %select_n3A_210 : vector<32x128xi1>, vector<32x128xf32>
    %lt3A_216 = arith.cmpf olt, %max3A_213, %min3A_183 : vector<32x128xf32>
    %min3A_217 = arith.minimumf %min3A_183, %max3A_213 : vector<32x128xf32>
    %max3A_218 = arith.maximumf %min3A_183, %max3A_213 : vector<32x128xf32>
    %select_n3A_219 = arith.select %lt3A_216, %select_n3A_215, %select_n3A_185 : vector<32x128xi1>, vector<32x128xf32>
    %select_n3A_220 = arith.select %lt3A_216, %select_n3A_185, %select_n3A_215 : vector<32x128xi1>, vector<32x128xf32>
    %lt3A_221 = arith.cmpf olt, %max3A_218, %min3A_188 : vector<32x128xf32>
    %min3A_222 = arith.minimumf %min3A_188, %max3A_218 : vector<32x128xf32>
    %select_n3A_223 = arith.select %lt3A_221, %select_n3A_220, %select_n3A_189 : vector<32x128xi1>, vector<32x128xf32>
    %scan3A_224 = arith.constant 774 : i32
    %scan3A_225 = arith.addi %scan3A, %scan3A_224 : i32
    %mul3A_226 = arith.constant 128 : i32
    %mul3A_227 = arith.muli %scan3A_225, %mul3A_226 : i32
    %multiple_of3A_228 = tpu.assume_multiple %mul3A_227, 128 : i32
    %get3A_229 = arith.constant 0 : index
    %get3A_230 = arith.index_cast %multiple_of3A_228 : i32 to index
    %get3A_231 = vector.load %arg4[%get3A_229, %get3A_230] : memref<32x100096xf32, #tpu.memory_space<vmem>>, vector<32x128xf32>
    %convert_element_type3A_232 = arith.sitofp %scan3A_225 : i32 to f32
    %lt3A_233 = arith.cmpf olt, %get3A_231, %min3A_200 : vector<32x128xf32>
    %min3A_234 = arith.minimumf %min3A_200, %get3A_231 : vector<32x128xf32>
    %max3A_235 = arith.maximumf %min3A_200, %get3A_231 : vector<32x128xf32>
    %broadcast_in_dim3A_236 = vector.broadcast %convert_element_type3A_232 : f32 to vector<32x128xf32>
    %select_n3A_237 = arith.select %lt3A_233, %broadcast_in_dim3A_236, %select_n3A_203 : vector<32x128xi1>, vector<32x128xf32>
    %broadcast_in_dim3A_238 = vector.broadcast %convert_element_type3A_232 : f32 to vector<32x128xf32>
    %select_n3A_239 = arith.select %lt3A_233, %select_n3A_203, %broadcast_in_dim3A_238 : vector<32x128xi1>, vector<32x128xf32>
    %lt3A_240 = arith.cmpf olt, %max3A_235, %min3A_207 : vector<32x128xf32>
    %min3A_241 = arith.minimumf %min3A_207, %max3A_235 : vector<32x128xf32>
    %max3A_242 = arith.maximumf %min3A_207, %max3A_235 : vector<32x128xf32>
    %select_n3A_243 = arith.select %lt3A_240, %select_n3A_239, %select_n3A_209 : vector<32x128xi1>, vector<32x128xf32>
    %select_n3A_244 = arith.select %lt3A_240, %select_n3A_209, %select_n3A_239 : vector<32x128xi1>, vector<32x128xf32>
    %lt3A_245 = arith.cmpf olt, %max3A_242, %min3A_212 : vector<32x128xf32>
    %min3A_246 = arith.minimumf %min3A_212, %max3A_242 : vector<32x128xf32>
    %max3A_247 = arith.maximumf %min3A_212, %max3A_242 : vector<32x128xf32>
    %select_n3A_248 = arith.select %lt3A_245, %select_n3A_244, %select_n3A_214 : vector<32x128xi1>, vector<32x128xf32>
    %select_n3A_249 = arith.select %lt3A_245, %select_n3A_214, %select_n3A_244 : vector<32x128xi1>, vector<32x128xf32>
    %lt3A_250 = arith.cmpf olt, %max3A_247, %min3A_217 : vector<32x128xf32>
    %min3A_251 = arith.minimumf %min3A_217, %max3A_247 : vector<32x128xf32>
    %max3A_252 = arith.maximumf %min3A_217, %max3A_247 : vector<32x128xf32>
    %select_n3A_253 = arith.select %lt3A_250, %select_n3A_249, %select_n3A_219 : vector<32x128xi1>, vector<32x128xf32>
    %select_n3A_254 = arith.select %lt3A_250, %select_n3A_219, %select_n3A_249 : vector<32x128xi1>, vector<32x128xf32>
    %lt3A_255 = arith.cmpf olt, %max3A_252, %min3A_222 : vector<32x128xf32>
    %min3A_256 = arith.minimumf %min3A_222, %max3A_252 : vector<32x128xf32>
    %select_n3A_257 = arith.select %lt3A_255, %select_n3A_254, %select_n3A_223 : vector<32x128xi1>, vector<32x128xf32>
    %scan3A_258 = arith.constant 775 : i32
    %scan3A_259 = arith.addi %scan3A, %scan3A_258 : i32
    %mul3A_260 = arith.constant 128 : i32
    %mul3A_261 = arith.muli %scan3A_259, %mul3A_260 : i32
    %multiple_of3A_262 = tpu.assume_multiple %mul3A_261, 128 : i32
    %get3A_263 = arith.constant 0 : index
    %get3A_264 = arith.index_cast %multiple_of3A_262 : i32 to index
    %get3A_265 = vector.load %arg4[%get3A_263, %get3A_264] : memref<32x100096xf32, #tpu.memory_space<vmem>>, vector<32x128xf32>
    %convert_element_type3A_266 = arith.sitofp %scan3A_259 : i32 to f32
    %lt3A_267 = arith.cmpf olt, %get3A_265, %min3A_234 : vector<32x128xf32>
    %min3A_268 = arith.minimumf %min3A_234, %get3A_265 : vector<32x128xf32>
    %max3A_269 = arith.maximumf %min3A_234, %get3A_265 : vector<32x128xf32>
    %broadcast_in_dim3A_270 = vector.broadcast %convert_element_type3A_266 : f32 to vector<32x128xf32>
    %select_n3A_271 = arith.select %lt3A_267, %broadcast_in_dim3A_270, %select_n3A_237 : vector<32x128xi1>, vector<32x128xf32>
    %broadcast_in_dim3A_272 = vector.broadcast %convert_element_type3A_266 : f32 to vector<32x128xf32>
    %select_n3A_273 = arith.select %lt3A_267, %select_n3A_237, %broadcast_in_dim3A_272 : vector<32x128xi1>, vector<32x128xf32>
    %lt3A_274 = arith.cmpf olt, %max3A_269, %min3A_241 : vector<32x128xf32>
    %min3A_275 = arith.minimumf %min3A_241, %max3A_269 : vector<32x128xf32>
    %max3A_276 = arith.maximumf %min3A_241, %max3A_269 : vector<32x128xf32>
    %select_n3A_277 = arith.select %lt3A_274, %select_n3A_273, %select_n3A_243 : vector<32x128xi1>, vector<32x128xf32>
    %select_n3A_278 = arith.select %lt3A_274, %select_n3A_243, %select_n3A_273 : vector<32x128xi1>, vector<32x128xf32>
    %lt3A_279 = arith.cmpf olt, %max3A_276, %min3A_246 : vector<32x128xf32>
    %min3A_280 = arith.minimumf %min3A_246, %max3A_276 : vector<32x128xf32>
    %max3A_281 = arith.maximumf %min3A_246, %max3A_276 : vector<32x128xf32>
    %select_n3A_282 = arith.select %lt3A_279, %select_n3A_278, %select_n3A_248 : vector<32x128xi1>, vector<32x128xf32>
    %select_n3A_283 = arith.select %lt3A_279, %select_n3A_248, %select_n3A_278 : vector<32x128xi1>, vector<32x128xf32>
    %lt3A_284 = arith.cmpf olt, %max3A_281, %min3A_251 : vector<32x128xf32>
    %min3A_285 = arith.minimumf %min3A_251, %max3A_281 : vector<32x128xf32>
    %max3A_286 = arith.maximumf %min3A_251, %max3A_281 : vector<32x128xf32>
    %select_n3A_287 = arith.select %lt3A_284, %select_n3A_283, %select_n3A_253 : vector<32x128xi1>, vector<32x128xf32>
    %select_n3A_288 = arith.select %lt3A_284, %select_n3A_253, %select_n3A_283 : vector<32x128xi1>, vector<32x128xf32>
    %lt3A_289 = arith.cmpf olt, %max3A_286, %min3A_256 : vector<32x128xf32>
    %min3A_290 = arith.minimumf %min3A_256, %max3A_286 : vector<32x128xf32>
    %select_n3A_291 = arith.select %lt3A_289, %select_n3A_288, %select_n3A_257 : vector<32x128xi1>, vector<32x128xf32>
    %scan3A_292 = arith.constant 776 : i32
    %scan3A_293 = arith.addi %scan3A, %scan3A_292 : i32
    %mul3A_294 = arith.constant 128 : i32
    %mul3A_295 = arith.muli %scan3A_293, %mul3A_294 : i32
    %multiple_of3A_296 = tpu.assume_multiple %mul3A_295, 128 : i32
    %get3A_297 = arith.constant 0 : index
    %get3A_298 = arith.index_cast %multiple_of3A_296 : i32 to index
    %get3A_299 = vector.load %arg4[%get3A_297, %get3A_298] : memref<32x100096xf32, #tpu.memory_space<vmem>>, vector<32x128xf32>
    %convert_element_type3A_300 = arith.sitofp %scan3A_293 : i32 to f32
    %lt3A_301 = arith.cmpf olt, %get3A_299, %min3A_268 : vector<32x128xf32>
    %min3A_302 = arith.minimumf %min3A_268, %get3A_299 : vector<32x128xf32>
    %max3A_303 = arith.maximumf %min3A_268, %get3A_299 : vector<32x128xf32>
    %broadcast_in_dim3A_304 = vector.broadcast %convert_element_type3A_300 : f32 to vector<32x128xf32>
    %select_n3A_305 = arith.select %lt3A_301, %broadcast_in_dim3A_304, %select_n3A_271 : vector<32x128xi1>, vector<32x128xf32>
    %broadcast_in_dim3A_306 = vector.broadcast %convert_element_type3A_300 : f32 to vector<32x128xf32>
    %select_n3A_307 = arith.select %lt3A_301, %select_n3A_271, %broadcast_in_dim3A_306 : vector<32x128xi1>, vector<32x128xf32>
    %lt3A_308 = arith.cmpf olt, %max3A_303, %min3A_275 : vector<32x128xf32>
    %min3A_309 = arith.minimumf %min3A_275, %max3A_303 : vector<32x128xf32>
    %max3A_310 = arith.maximumf %min3A_275, %max3A_303 : vector<32x128xf32>
    %select_n3A_311 = arith.select %lt3A_308, %select_n3A_307, %select_n3A_277 : vector<32x128xi1>, vector<32x128xf32>
    %select_n3A_312 = arith.select %lt3A_308, %select_n3A_277, %select_n3A_307 : vector<32x128xi1>, vector<32x128xf32>
    %lt3A_313 = arith.cmpf olt, %max3A_310, %min3A_280 : vector<32x128xf32>
    %min3A_314 = arith.minimumf %min3A_280, %max3A_310 : vector<32x128xf32>
    %max3A_315 = arith.maximumf %min3A_280, %max3A_310 : vector<32x128xf32>
    %select_n3A_316 = arith.select %lt3A_313, %select_n3A_312, %select_n3A_282 : vector<32x128xi1>, vector<32x128xf32>
    %select_n3A_317 = arith.select %lt3A_313, %select_n3A_282, %select_n3A_312 : vector<32x128xi1>, vector<32x128xf32>
    %lt3A_318 = arith.cmpf olt, %max3A_315, %min3A_285 : vector<32x128xf32>
    %min3A_319 = arith.minimumf %min3A_285, %max3A_315 : vector<32x128xf32>
    %max3A_320 = arith.maximumf %min3A_285, %max3A_315 : vector<32x128xf32>
    %select_n3A_321 = arith.select %lt3A_318, %select_n3A_317, %select_n3A_287 : vector<32x128xi1>, vector<32x128xf32>
    %select_n3A_322 = arith.select %lt3A_318, %select_n3A_287, %select_n3A_317 : vector<32x128xi1>, vector<32x128xf32>
    %lt3A_323 = arith.cmpf olt, %max3A_320, %min3A_290 : vector<32x128xf32>
    %min3A_324 = arith.minimumf %min3A_290, %max3A_320 : vector<32x128xf32>
    %select_n3A_325 = arith.select %lt3A_323, %select_n3A_322, %select_n3A_291 : vector<32x128xi1>, vector<32x128xf32>
    %scan3A_326 = arith.constant 777 : i32
    %scan3A_327 = arith.addi %scan3A, %scan3A_326 : i32
    %mul3A_328 = arith.constant 128 : i32
    %mul3A_329 = arith.muli %scan3A_327, %mul3A_328 : i32
    %multiple_of3A_330 = tpu.assume_multiple %mul3A_329, 128 : i32
    %get3A_331 = arith.constant 0 : index
    %get3A_332 = arith.index_cast %multiple_of3A_330 : i32 to index
    %get3A_333 = vector.load %arg4[%get3A_331, %get3A_332] : memref<32x100096xf32, #tpu.memory_space<vmem>>, vector<32x128xf32>
    %convert_element_type3A_334 = arith.sitofp %scan3A_327 : i32 to f32
    %lt3A_335 = arith.cmpf olt, %get3A_333, %min3A_302 : vector<32x128xf32>
    %min3A_336 = arith.minimumf %min3A_302, %get3A_333 : vector<32x128xf32>
    %max3A_337 = arith.maximumf %min3A_302, %get3A_333 : vector<32x128xf32>
    %broadcast_in_dim3A_338 = vector.broadcast %convert_element_type3A_334 : f32 to vector<32x128xf32>
    %select_n3A_339 = arith.select %lt3A_335, %broadcast_in_dim3A_338, %select_n3A_305 : vector<32x128xi1>, vector<32x128xf32>
    %broadcast_in_dim3A_340 = vector.broadcast %convert_element_type3A_334 : f32 to vector<32x128xf32>
    %select_n3A_341 = arith.select %lt3A_335, %select_n3A_305, %broadcast_in_dim3A_340 : vector<32x128xi1>, vector<32x128xf32>
    %lt3A_342 = arith.cmpf olt, %max3A_337, %min3A_309 : vector<32x128xf32>
    %min3A_343 = arith.minimumf %min3A_309, %max3A_337 : vector<32x128xf32>
    %max3A_344 = arith.maximumf %min3A_309, %max3A_337 : vector<32x128xf32>
    %select_n3A_345 = arith.select %lt3A_342, %select_n3A_341, %select_n3A_311 : vector<32x128xi1>, vector<32x128xf32>
    %select_n3A_346 = arith.select %lt3A_342, %select_n3A_311, %select_n3A_341 : vector<32x128xi1>, vector<32x128xf32>
    %lt3A_347 = arith.cmpf olt, %max3A_344, %min3A_314 : vector<32x128xf32>
    %min3A_348 = arith.minimumf %min3A_314, %max3A_344 : vector<32x128xf32>
    %max3A_349 = arith.maximumf %min3A_314, %max3A_344 : vector<32x128xf32>
    %select_n3A_350 = arith.select %lt3A_347, %select_n3A_346, %select_n3A_316 : vector<32x128xi1>, vector<32x128xf32>
    %select_n3A_351 = arith.select %lt3A_347, %select_n3A_316, %select_n3A_346 : vector<32x128xi1>, vector<32x128xf32>
    %lt3A_352 = arith.cmpf olt, %max3A_349, %min3A_319 : vector<32x128xf32>
    %min3A_353 = arith.minimumf %min3A_319, %max3A_349 : vector<32x128xf32>
    %max3A_354 = arith.maximumf %min3A_319, %max3A_349 : vector<32x128xf32>
    %select_n3A_355 = arith.select %lt3A_352, %select_n3A_351, %select_n3A_321 : vector<32x128xi1>, vector<32x128xf32>
    %select_n3A_356 = arith.select %lt3A_352, %select_n3A_321, %select_n3A_351 : vector<32x128xi1>, vector<32x128xf32>
    %lt3A_357 = arith.cmpf olt, %max3A_354, %min3A_324 : vector<32x128xf32>
    %min3A_358 = arith.minimumf %min3A_324, %max3A_354 : vector<32x128xf32>
    %select_n3A_359 = arith.select %lt3A_357, %select_n3A_356, %select_n3A_325 : vector<32x128xi1>, vector<32x128xf32>
    %scan3A_360 = arith.constant 778 : i32
    %scan3A_361 = arith.addi %scan3A, %scan3A_360 : i32
    %mul3A_362 = arith.constant 128 : i32
    %mul3A_363 = arith.muli %scan3A_361, %mul3A_362 : i32
    %multiple_of3A_364 = tpu.assume_multiple %mul3A_363, 128 : i32
    %get3A_365 = arith.constant 0 : index
    %get3A_366 = arith.index_cast %multiple_of3A_364 : i32 to index
    %get3A_367 = vector.load %arg4[%get3A_365, %get3A_366] : memref<32x100096xf32, #tpu.memory_space<vmem>>, vector<32x128xf32>
    %convert_element_type3A_368 = arith.sitofp %scan3A_361 : i32 to f32
    %lt3A_369 = arith.cmpf olt, %get3A_367, %min3A_336 : vector<32x128xf32>
    %min3A_370 = arith.minimumf %min3A_336, %get3A_367 : vector<32x128xf32>
    %max3A_371 = arith.maximumf %min3A_336, %get3A_367 : vector<32x128xf32>
    %broadcast_in_dim3A_372 = vector.broadcast %convert_element_type3A_368 : f32 to vector<32x128xf32>
    %select_n3A_373 = arith.select %lt3A_369, %broadcast_in_dim3A_372, %select_n3A_339 : vector<32x128xi1>, vector<32x128xf32>
    %broadcast_in_dim3A_374 = vector.broadcast %convert_element_type3A_368 : f32 to vector<32x128xf32>
    %select_n3A_375 = arith.select %lt3A_369, %select_n3A_339, %broadcast_in_dim3A_374 : vector<32x128xi1>, vector<32x128xf32>
    %lt3A_376 = arith.cmpf olt, %max3A_371, %min3A_343 : vector<32x128xf32>
    %min3A_377 = arith.minimumf %min3A_343, %max3A_371 : vector<32x128xf32>
    %max3A_378 = arith.maximumf %min3A_343, %max3A_371 : vector<32x128xf32>
    %select_n3A_379 = arith.select %lt3A_376, %select_n3A_375, %select_n3A_345 : vector<32x128xi1>, vector<32x128xf32>
    %select_n3A_380 = arith.select %lt3A_376, %select_n3A_345, %select_n3A_375 : vector<32x128xi1>, vector<32x128xf32>
    %lt3A_381 = arith.cmpf olt, %max3A_378, %min3A_348 : vector<32x128xf32>
    %min3A_382 = arith.minimumf %min3A_348, %max3A_378 : vector<32x128xf32>
    %max3A_383 = arith.maximumf %min3A_348, %max3A_378 : vector<32x128xf32>
    %select_n3A_384 = arith.select %lt3A_381, %select_n3A_380, %select_n3A_350 : vector<32x128xi1>, vector<32x128xf32>
    %select_n3A_385 = arith.select %lt3A_381, %select_n3A_350, %select_n3A_380 : vector<32x128xi1>, vector<32x128xf32>
    %lt3A_386 = arith.cmpf olt, %max3A_383, %min3A_353 : vector<32x128xf32>
    %min3A_387 = arith.minimumf %min3A_353, %max3A_383 : vector<32x128xf32>
    %max3A_388 = arith.maximumf %min3A_353, %max3A_383 : vector<32x128xf32>
    %select_n3A_389 = arith.select %lt3A_386, %select_n3A_385, %select_n3A_355 : vector<32x128xi1>, vector<32x128xf32>
    %select_n3A_390 = arith.select %lt3A_386, %select_n3A_355, %select_n3A_385 : vector<32x128xi1>, vector<32x128xf32>
    %lt3A_391 = arith.cmpf olt, %max3A_388, %min3A_358 : vector<32x128xf32>
    %min3A_392 = arith.minimumf %min3A_358, %max3A_388 : vector<32x128xf32>
    %select_n3A_393 = arith.select %lt3A_391, %select_n3A_390, %select_n3A_359 : vector<32x128xi1>, vector<32x128xf32>
    %scan3A_394 = arith.constant 779 : i32
    %scan3A_395 = arith.addi %scan3A, %scan3A_394 : i32
    %mul3A_396 = arith.constant 128 : i32
    %mul3A_397 = arith.muli %scan3A_395, %mul3A_396 : i32
    %multiple_of3A_398 = tpu.assume_multiple %mul3A_397, 128 : i32
    %get3A_399 = arith.constant 0 : index
    %get3A_400 = arith.index_cast %multiple_of3A_398 : i32 to index
    %get3A_401 = vector.load %arg4[%get3A_399, %get3A_400] : memref<32x100096xf32, #tpu.memory_space<vmem>>, vector<32x128xf32>
    %convert_element_type3A_402 = arith.sitofp %scan3A_395 : i32 to f32
    %lt3A_403 = arith.cmpf olt, %get3A_401, %min3A_370 : vector<32x128xf32>
    %min3A_404 = arith.minimumf %min3A_370, %get3A_401 : vector<32x128xf32>
    %max3A_405 = arith.maximumf %min3A_370, %get3A_401 : vector<32x128xf32>
    %broadcast_in_dim3A_406 = vector.broadcast %convert_element_type3A_402 : f32 to vector<32x128xf32>
    %select_n3A_407 = arith.select %lt3A_403, %broadcast_in_dim3A_406, %select_n3A_373 : vector<32x128xi1>, vector<32x128xf32>
    %broadcast_in_dim3A_408 = vector.broadcast %convert_element_type3A_402 : f32 to vector<32x128xf32>
    %select_n3A_409 = arith.select %lt3A_403, %select_n3A_373, %broadcast_in_dim3A_408 : vector<32x128xi1>, vector<32x128xf32>
    %lt3A_410 = arith.cmpf olt, %max3A_405, %min3A_377 : vector<32x128xf32>
    %min3A_411 = arith.minimumf %min3A_377, %max3A_405 : vector<32x128xf32>
    %max3A_412 = arith.maximumf %min3A_377, %max3A_405 : vector<32x128xf32>
    %select_n3A_413 = arith.select %lt3A_410, %select_n3A_409, %select_n3A_379 : vector<32x128xi1>, vector<32x128xf32>
    %select_n3A_414 = arith.select %lt3A_410, %select_n3A_379, %select_n3A_409 : vector<32x128xi1>, vector<32x128xf32>
    %lt3A_415 = arith.cmpf olt, %max3A_412, %min3A_382 : vector<32x128xf32>
    %min3A_416 = arith.minimumf %min3A_382, %max3A_412 : vector<32x128xf32>
    %max3A_417 = arith.maximumf %min3A_382, %max3A_412 : vector<32x128xf32>
    %select_n3A_418 = arith.select %lt3A_415, %select_n3A_414, %select_n3A_384 : vector<32x128xi1>, vector<32x128xf32>
    %select_n3A_419 = arith.select %lt3A_415, %select_n3A_384, %select_n3A_414 : vector<32x128xi1>, vector<32x128xf32>
    %lt3A_420 = arith.cmpf olt, %max3A_417, %min3A_387 : vector<32x128xf32>
    %min3A_421 = arith.minimumf %min3A_387, %max3A_417 : vector<32x128xf32>
    %max3A_422 = arith.maximumf %min3A_387, %max3A_417 : vector<32x128xf32>
    %select_n3A_423 = arith.select %lt3A_420, %select_n3A_419, %select_n3A_389 : vector<32x128xi1>, vector<32x128xf32>
    %select_n3A_424 = arith.select %lt3A_420, %select_n3A_389, %select_n3A_419 : vector<32x128xi1>, vector<32x128xf32>
    %lt3A_425 = arith.cmpf olt, %max3A_422, %min3A_392 : vector<32x128xf32>
    %min3A_426 = arith.minimumf %min3A_392, %max3A_422 : vector<32x128xf32>
    %select_n3A_427 = arith.select %lt3A_425, %select_n3A_424, %select_n3A_393 : vector<32x128xi1>, vector<32x128xf32>
    %scan3A_428 = arith.constant 780 : i32
    %scan3A_429 = arith.addi %scan3A, %scan3A_428 : i32
    %mul3A_430 = arith.constant 128 : i32
    %mul3A_431 = arith.muli %scan3A_429, %mul3A_430 : i32
    %multiple_of3A_432 = tpu.assume_multiple %mul3A_431, 128 : i32
    %get3A_433 = arith.constant 0 : index
    %get3A_434 = arith.index_cast %multiple_of3A_432 : i32 to index
    %get3A_435 = vector.load %arg4[%get3A_433, %get3A_434] : memref<32x100096xf32, #tpu.memory_space<vmem>>, vector<32x128xf32>
    %convert_element_type3A_436 = arith.sitofp %scan3A_429 : i32 to f32
    %lt3A_437 = arith.cmpf olt, %get3A_435, %min3A_404 : vector<32x128xf32>
    %min3A_438 = arith.minimumf %min3A_404, %get3A_435 : vector<32x128xf32>
    %max3A_439 = arith.maximumf %min3A_404, %get3A_435 : vector<32x128xf32>
    %broadcast_in_dim3A_440 = vector.broadcast %convert_element_type3A_436 : f32 to vector<32x128xf32>
    %select_n3A_441 = arith.select %lt3A_437, %broadcast_in_dim3A_440, %select_n3A_407 : vector<32x128xi1>, vector<32x128xf32>
    %broadcast_in_dim3A_442 = vector.broadcast %convert_element_type3A_436 : f32 to vector<32x128xf32>
    %select_n3A_443 = arith.select %lt3A_437, %select_n3A_407, %broadcast_in_dim3A_442 : vector<32x128xi1>, vector<32x128xf32>
    %lt3A_444 = arith.cmpf olt, %max3A_439, %min3A_411 : vector<32x128xf32>
    %min3A_445 = arith.minimumf %min3A_411, %max3A_439 : vector<32x128xf32>
    %max3A_446 = arith.maximumf %min3A_411, %max3A_439 : vector<32x128xf32>
    %select_n3A_447 = arith.select %lt3A_444, %select_n3A_443, %select_n3A_413 : vector<32x128xi1>, vector<32x128xf32>
    %select_n3A_448 = arith.select %lt3A_444, %select_n3A_413, %select_n3A_443 : vector<32x128xi1>, vector<32x128xf32>
    %lt3A_449 = arith.cmpf olt, %max3A_446, %min3A_416 : vector<32x128xf32>
    %min3A_450 = arith.minimumf %min3A_416, %max3A_446 : vector<32x128xf32>
    %max3A_451 = arith.maximumf %min3A_416, %max3A_446 : vector<32x128xf32>
    %select_n3A_452 = arith.select %lt3A_449, %select_n3A_448, %select_n3A_418 : vector<32x128xi1>, vector<32x128xf32>
    %select_n3A_453 = arith.select %lt3A_449, %select_n3A_418, %select_n3A_448 : vector<32x128xi1>, vector<32x128xf32>
    %lt3A_454 = arith.cmpf olt, %max3A_451, %min3A_421 : vector<32x128xf32>
    %min3A_455 = arith.minimumf %min3A_421, %max3A_451 : vector<32x128xf32>
    %max3A_456 = arith.maximumf %min3A_421, %max3A_451 : vector<32x128xf32>
    %select_n3A_457 = arith.select %lt3A_454, %select_n3A_453, %select_n3A_423 : vector<32x128xi1>, vector<32x128xf32>
    %select_n3A_458 = arith.select %lt3A_454, %select_n3A_423, %select_n3A_453 : vector<32x128xi1>, vector<32x128xf32>
    %lt3A_459 = arith.cmpf olt, %max3A_456, %min3A_426 : vector<32x128xf32>
    %min3A_460 = arith.minimumf %min3A_426, %max3A_456 : vector<32x128xf32>
    %select_n3A_461 = arith.select %lt3A_459, %select_n3A_458, %select_n3A_427 : vector<32x128xi1>, vector<32x128xf32>
    %scan3A_462 = arith.constant 781 : i32
    %scan3A_463 = arith.addi %scan3A, %scan3A_462 : i32
    %mul3A_464 = arith.constant 128 : i32
    %mul3A_465 = arith.muli %scan3A_463, %mul3A_464 : i32
    %multiple_of3A_466 = tpu.assume_multiple %mul3A_465, 128 : i32
    %get3A_467 = arith.constant 0 : index
    %get3A_468 = arith.index_cast %multiple_of3A_466 : i32 to index
    %get3A_469 = vector.load %arg4[%get3A_467, %get3A_468] : memref<32x100096xf32, #tpu.memory_space<vmem>>, vector<32x128xf32>
    %convert_element_type3A_470 = arith.sitofp %scan3A_463 : i32 to f32
    %lt3A_471 = arith.cmpf olt, %get3A_469, %min3A_438 : vector<32x128xf32>
    %min3A_472 = arith.minimumf %min3A_438, %get3A_469 : vector<32x128xf32>
    %max3A_473 = arith.maximumf %min3A_438, %get3A_469 : vector<32x128xf32>
    %broadcast_in_dim3A_474 = vector.broadcast %convert_element_type3A_470 : f32 to vector<32x128xf32>
    %select_n3A_475 = arith.select %lt3A_471, %broadcast_in_dim3A_474, %select_n3A_441 : vector<32x128xi1>, vector<32x128xf32>
    %broadcast_in_dim3A_476 = vector.broadcast %convert_element_type3A_470 : f32 to vector<32x128xf32>
    %select_n3A_477 = arith.select %lt3A_471, %select_n3A_441, %broadcast_in_dim3A_476 : vector<32x128xi1>, vector<32x128xf32>
    %lt3A_478 = arith.cmpf olt, %max3A_473, %min3A_445 : vector<32x128xf32>
    %min3A_479 = arith.minimumf %min3A_445, %max3A_473 : vector<32x128xf32>
    %max3A_480 = arith.maximumf %min3A_445, %max3A_473 : vector<32x128xf32>
    %select_n3A_481 = arith.select %lt3A_478, %select_n3A_477, %select_n3A_447 : vector<32x128xi1>, vector<32x128xf32>
    %select_n3A_482 = arith.select %lt3A_478, %select_n3A_447, %select_n3A_477 : vector<32x128xi1>, vector<32x128xf32>
    %lt3A_483 = arith.cmpf olt, %max3A_480, %min3A_450 : vector<32x128xf32>
    %min3A_484 = arith.minimumf %min3A_450, %max3A_480 : vector<32x128xf32>
    %max3A_485 = arith.maximumf %min3A_450, %max3A_480 : vector<32x128xf32>
    %select_n3A_486 = arith.select %lt3A_483, %select_n3A_482, %select_n3A_452 : vector<32x128xi1>, vector<32x128xf32>
    %select_n3A_487 = arith.select %lt3A_483, %select_n3A_452, %select_n3A_482 : vector<32x128xi1>, vector<32x128xf32>
    %lt3A_488 = arith.cmpf olt, %max3A_485, %min3A_455 : vector<32x128xf32>
    %min3A_489 = arith.minimumf %min3A_455, %max3A_485 : vector<32x128xf32>
    %max3A_490 = arith.maximumf %min3A_455, %max3A_485 : vector<32x128xf32>
    %select_n3A_491 = arith.select %lt3A_488, %select_n3A_487, %select_n3A_457 : vector<32x128xi1>, vector<32x128xf32>
    %select_n3A_492 = arith.select %lt3A_488, %select_n3A_457, %select_n3A_487 : vector<32x128xi1>, vector<32x128xf32>
    %lt3A_493 = arith.cmpf olt, %max3A_490, %min3A_460 : vector<32x128xf32>
    %min3A_494 = arith.minimumf %min3A_460, %max3A_490 : vector<32x128xf32>
    %select_n3A_495 = arith.select %lt3A_493, %select_n3A_492, %select_n3A_461 : vector<32x128xi1>, vector<32x128xf32>
    %scan3A_496 = arith.constant 782 : i32
    %iota3A = tpu.iota {dimensions = array<i32: 1>} : vector<32x128xi32>
    %convert_element_type3A_497 = arith.sitofp %iota3A : vector<32x128xi32> to vector<32x128xf32>
    %reduce_min3A = arith.constant dense<0x7F800000> : vector<32xf32>
    %reduce_min3A_498 = vector.multi_reduction <minimumf>, %min3A_472, %reduce_min3A [1] : vector<32x128xf32> to vector<32xf32>
    %broadcast_in_dim3A_499 = vector.shape_cast %reduce_min3A_498 : vector<32xf32> to vector<32x1xf32>
    %mul3A_500 = arith.constant 1.280000e+02 : f32
    %mul3A_501 = vector.broadcast %mul3A_500 : f32 to vector<32x128xf32>
    %mul3A_502 = arith.mulf %select_n3A_475, %mul3A_501 : vector<32x128xf32>
    %add3A_503 = arith.addf %mul3A_502, %convert_element_type3A_497 : vector<32x128xf32>
    %eq3A = vector.broadcast %broadcast_in_dim3A_499 : vector<32x1xf32> to vector<32x128xf32>
    %eq3A_504 = arith.cmpf oeq, %min3A_472, %eq3A : vector<32x128xf32>
    %jit3A = arith.constant 3.000000e+38 : f32
    %broadcast_in_dim3A_505 = vector.broadcast %jit3A : f32 to vector<32x128xf32>
    %select_n3A_506 = arith.select %eq3A_504, %add3A_503, %broadcast_in_dim3A_505 : vector<32x128xi1>, vector<32x128xf32>
    %reduce_min3A_507 = arith.constant dense<0x7F800000> : vector<32xf32>
    %reduce_min3A_508 = vector.multi_reduction <minimumf>, %select_n3A_506, %reduce_min3A_507 [1] : vector<32x128xf32> to vector<32xf32>
    %broadcast_in_dim3A_509 = vector.shape_cast %reduce_min3A_508 : vector<32xf32> to vector<32x1xf32>
    %eq3A_510 = vector.broadcast %broadcast_in_dim3A_509 : vector<32x1xf32> to vector<32x128xf32>
    %eq3A_511 = arith.cmpf oeq, %select_n3A_506, %eq3A_510 : vector<32x128xf32>
    %select_n3A_512 = arith.select %eq3A_511, %min3A_479, %min3A_472 : vector<32x128xi1>, vector<32x128xf32>
    %select_n3A_513 = arith.select %eq3A_511, %select_n3A_481, %select_n3A_475 : vector<32x128xi1>, vector<32x128xf32>
    %select_n3A_514 = arith.select %eq3A_511, %min3A_484, %min3A_479 : vector<32x128xi1>, vector<32x128xf32>
    %select_n3A_515 = arith.select %eq3A_511, %select_n3A_486, %select_n3A_481 : vector<32x128xi1>, vector<32x128xf32>
    %select_n3A_516 = arith.select %eq3A_511, %min3A_489, %min3A_484 : vector<32x128xi1>, vector<32x128xf32>
    %select_n3A_517 = arith.select %eq3A_511, %select_n3A_491, %select_n3A_486 : vector<32x128xi1>, vector<32x128xf32>
    %select_n3A_518 = arith.select %eq3A_511, %min3A_494, %min3A_489 : vector<32x128xi1>, vector<32x128xf32>
    %select_n3A_519 = arith.select %eq3A_511, %select_n3A_495, %select_n3A_491 : vector<32x128xi1>, vector<32x128xf32>
    %reduce_min3A_520 = arith.constant dense<0x7F800000> : vector<32xf32>
    %reduce_min3A_521 = vector.multi_reduction <minimumf>, %select_n3A_512, %reduce_min3A_520 [1] : vector<32x128xf32> to vector<32xf32>
    %broadcast_in_dim3A_522 = vector.shape_cast %reduce_min3A_521 : vector<32xf32> to vector<32x1xf32>
    %mul3A_523 = arith.constant 1.280000e+02 : f32
    %mul3A_524 = vector.broadcast %mul3A_523 : f32 to vector<32x128xf32>
    %mul3A_525 = arith.mulf %select_n3A_513, %mul3A_524 : vector<32x128xf32>
    %add3A_526 = arith.addf %mul3A_525, %convert_element_type3A_497 : vector<32x128xf32>
    %eq3A_527 = vector.broadcast %broadcast_in_dim3A_522 : vector<32x1xf32> to vector<32x128xf32>
    %eq3A_528 = arith.cmpf oeq, %select_n3A_512, %eq3A_527 : vector<32x128xf32>
    %jit3A_529 = arith.constant 3.000000e+38 : f32
    %broadcast_in_dim3A_530 = vector.broadcast %jit3A_529 : f32 to vector<32x128xf32>
    %select_n3A_531 = arith.select %eq3A_528, %add3A_526, %broadcast_in_dim3A_530 : vector<32x128xi1>, vector<32x128xf32>
    %reduce_min3A_532 = arith.constant dense<0x7F800000> : vector<32xf32>
    %reduce_min3A_533 = vector.multi_reduction <minimumf>, %select_n3A_531, %reduce_min3A_532 [1] : vector<32x128xf32> to vector<32xf32>
    %broadcast_in_dim3A_534 = vector.shape_cast %reduce_min3A_533 : vector<32xf32> to vector<32x1xf32>
    %eq3A_535 = vector.broadcast %broadcast_in_dim3A_534 : vector<32x1xf32> to vector<32x128xf32>
    %eq3A_536 = arith.cmpf oeq, %select_n3A_531, %eq3A_535 : vector<32x128xf32>
    %select_n3A_537 = arith.select %eq3A_536, %select_n3A_514, %select_n3A_512 : vector<32x128xi1>, vector<32x128xf32>
    %select_n3A_538 = arith.select %eq3A_536, %select_n3A_515, %select_n3A_513 : vector<32x128xi1>, vector<32x128xf32>
    %select_n3A_539 = arith.select %eq3A_536, %select_n3A_516, %select_n3A_514 : vector<32x128xi1>, vector<32x128xf32>
    %select_n3A_540 = arith.select %eq3A_536, %select_n3A_517, %select_n3A_515 : vector<32x128xi1>, vector<32x128xf32>
    %select_n3A_541 = arith.select %eq3A_536, %select_n3A_518, %select_n3A_516 : vector<32x128xi1>, vector<32x128xf32>
    %select_n3A_542 = arith.select %eq3A_536, %select_n3A_519, %select_n3A_517 : vector<32x128xi1>, vector<32x128xf32>
    %reduce_min3A_543 = arith.constant dense<0x7F800000> : vector<32xf32>
    %reduce_min3A_544 = vector.multi_reduction <minimumf>, %select_n3A_537, %reduce_min3A_543 [1] : vector<32x128xf32> to vector<32xf32>
    %broadcast_in_dim3A_545 = vector.shape_cast %reduce_min3A_544 : vector<32xf32> to vector<32x1xf32>
    %mul3A_546 = arith.constant 1.280000e+02 : f32
    %mul3A_547 = vector.broadcast %mul3A_546 : f32 to vector<32x128xf32>
    %mul3A_548 = arith.mulf %select_n3A_538, %mul3A_547 : vector<32x128xf32>
    %add3A_549 = arith.addf %mul3A_548, %convert_element_type3A_497 : vector<32x128xf32>
    %eq3A_550 = vector.broadcast %broadcast_in_dim3A_545 : vector<32x1xf32> to vector<32x128xf32>
    %eq3A_551 = arith.cmpf oeq, %select_n3A_537, %eq3A_550 : vector<32x128xf32>
    %jit3A_552 = arith.constant 3.000000e+38 : f32
    %broadcast_in_dim3A_553 = vector.broadcast %jit3A_552 : f32 to vector<32x128xf32>
    %select_n3A_554 = arith.select %eq3A_551, %add3A_549, %broadcast_in_dim3A_553 : vector<32x128xi1>, vector<32x128xf32>
    %reduce_min3A_555 = arith.constant dense<0x7F800000> : vector<32xf32>
    %reduce_min3A_556 = vector.multi_reduction <minimumf>, %select_n3A_554, %reduce_min3A_555 [1] : vector<32x128xf32> to vector<32xf32>
    %broadcast_in_dim3A_557 = vector.shape_cast %reduce_min3A_556 : vector<32xf32> to vector<32x1xf32>
    %eq3A_558 = vector.broadcast %broadcast_in_dim3A_557 : vector<32x1xf32> to vector<32x128xf32>
    %eq3A_559 = arith.cmpf oeq, %select_n3A_554, %eq3A_558 : vector<32x128xf32>
    %select_n3A_560 = arith.select %eq3A_559, %select_n3A_539, %select_n3A_537 : vector<32x128xi1>, vector<32x128xf32>
    %select_n3A_561 = arith.select %eq3A_559, %select_n3A_540, %select_n3A_538 : vector<32x128xi1>, vector<32x128xf32>
    %select_n3A_562 = arith.select %eq3A_559, %select_n3A_541, %select_n3A_539 : vector<32x128xi1>, vector<32x128xf32>
    %select_n3A_563 = arith.select %eq3A_559, %select_n3A_542, %select_n3A_540 : vector<32x128xi1>, vector<32x128xf32>
    %reduce_min3A_564 = arith.constant dense<0x7F800000> : vector<32xf32>
    %reduce_min3A_565 = vector.multi_reduction <minimumf>, %select_n3A_560, %reduce_min3A_564 [1] : vector<32x128xf32> to vector<32xf32>
    %broadcast_in_dim3A_566 = vector.shape_cast %reduce_min3A_565 : vector<32xf32> to vector<32x1xf32>
    %mul3A_567 = arith.constant 1.280000e+02 : f32
    %mul3A_568 = vector.broadcast %mul3A_567 : f32 to vector<32x128xf32>
    %mul3A_569 = arith.mulf %select_n3A_561, %mul3A_568 : vector<32x128xf32>
    %add3A_570 = arith.addf %mul3A_569, %convert_element_type3A_497 : vector<32x128xf32>
    %eq3A_571 = vector.broadcast %broadcast_in_dim3A_566 : vector<32x1xf32> to vector<32x128xf32>
    %eq3A_572 = arith.cmpf oeq, %select_n3A_560, %eq3A_571 : vector<32x128xf32>
    %jit3A_573 = arith.constant 3.000000e+38 : f32
    %broadcast_in_dim3A_574 = vector.broadcast %jit3A_573 : f32 to vector<32x128xf32>
    %select_n3A_575 = arith.select %eq3A_572, %add3A_570, %broadcast_in_dim3A_574 : vector<32x128xi1>, vector<32x128xf32>
    %reduce_min3A_576 = arith.constant dense<0x7F800000> : vector<32xf32>
    %reduce_min3A_577 = vector.multi_reduction <minimumf>, %select_n3A_575, %reduce_min3A_576 [1] : vector<32x128xf32> to vector<32xf32>
    %broadcast_in_dim3A_578 = vector.shape_cast %reduce_min3A_577 : vector<32xf32> to vector<32x1xf32>
    %eq3A_579 = vector.broadcast %broadcast_in_dim3A_578 : vector<32x1xf32> to vector<32x128xf32>
    %eq3A_580 = arith.cmpf oeq, %select_n3A_575, %eq3A_579 : vector<32x128xf32>
    %select_n3A_581 = arith.select %eq3A_580, %select_n3A_562, %select_n3A_560 : vector<32x128xi1>, vector<32x128xf32>
    %select_n3A_582 = arith.select %eq3A_580, %select_n3A_563, %select_n3A_561 : vector<32x128xi1>, vector<32x128xf32>
    %reduce_min3A_583 = arith.constant dense<0x7F800000> : vector<32xf32>
    %reduce_min3A_584 = vector.multi_reduction <minimumf>, %select_n3A_581, %reduce_min3A_583 [1] : vector<32x128xf32> to vector<32xf32>
    %broadcast_in_dim3A_585 = vector.shape_cast %reduce_min3A_584 : vector<32xf32> to vector<32x1xf32>
    %mul3A_586 = arith.constant 1.280000e+02 : f32
    %mul3A_587 = vector.broadcast %mul3A_586 : f32 to vector<32x128xf32>
    %mul3A_588 = arith.mulf %select_n3A_582, %mul3A_587 : vector<32x128xf32>
    %add3A_589 = arith.addf %mul3A_588, %convert_element_type3A_497 : vector<32x128xf32>
    %eq3A_590 = vector.broadcast %broadcast_in_dim3A_585 : vector<32x1xf32> to vector<32x128xf32>
    %eq3A_591 = arith.cmpf oeq, %select_n3A_581, %eq3A_590 : vector<32x128xf32>
    %jit3A_592 = arith.constant 3.000000e+38 : f32
    %broadcast_in_dim3A_593 = vector.broadcast %jit3A_592 : f32 to vector<32x128xf32>
    %select_n3A_594 = arith.select %eq3A_591, %add3A_589, %broadcast_in_dim3A_593 : vector<32x128xi1>, vector<32x128xf32>
    %reduce_min3A_595 = arith.constant dense<0x7F800000> : vector<32xf32>
    %reduce_min3A_596 = vector.multi_reduction <minimumf>, %select_n3A_594, %reduce_min3A_595 [1] : vector<32x128xf32> to vector<32xf32>
    %broadcast_in_dim3A_597 = vector.shape_cast %reduce_min3A_596 : vector<32xf32> to vector<32x1xf32>
    %broadcast_in_dim3A_598 = arith.constant 0.000000e+00 : f32
    %broadcast_in_dim3A_599 = vector.broadcast %broadcast_in_dim3A_598 : f32 to vector<32x3xf32>
    %concatenate3A = tpu.concatenate %broadcast_in_dim3A_509, %broadcast_in_dim3A_534, %broadcast_in_dim3A_557, %broadcast_in_dim3A_578, %broadcast_in_dim3A_597, %broadcast_in_dim3A_599 in 1 : vector<32x1xf32>, vector<32x1xf32>, vector<32x1xf32>, vector<32x1xf32>, vector<32x1xf32>, vector<32x3xf32> -> vector<32x8xf32>
    %convert_element_type3A_600 = arith.fptosi %concatenate3A : vector<32x8xf32> to vector<32x8xi32>
    %swap3A_601 = arith.constant 0 : index
    %swap3A_602 = arith.constant 0 : index
    %swap3A_603 = vector.load %arg3[%swap3A_601, %swap3A_602] : memref<32x8xi32, #tpu.memory_space<vmem>>, vector<32x8xi32>
    tpu.vector_store %arg3[%swap3A_601, %swap3A_602], %convert_element_type3A_600 {strides = array<i32>} : memref<32x8xi32, #tpu.memory_space<vmem>>, vector<32x8xi32>,
    return
  }
  func.func @transform_0(%arg0: i32) -> (i32, i32) {
    %c0_i32 = arith.constant 0 : i32
    %c0_i32_0 = arith.constant 0 : i32
    return %arg0, %c0_i32 : i32, i32
  }
  func.func @transform_1(%arg0: i32) -> (i32, i32) {
    %c0_i32 = arith.constant 0 : i32
    %c0_i32_0 = arith.constant 0 : i32
    %c0_i32_1 = arith.constant 0 : i32
    return %c0_i32, %c0_i32_0 : i32, i32
  }
  func.func @transform_2(%arg0: i32) -> (i32, i32) {
    %c0_i32 = arith.constant 0 : i32
    %c0_i32_0 = arith.constant 0 : i32
    return %arg0, %c0_i32 : i32, i32
  }
}

</mosaic_0001>

<sc_bundles>
// kernel: kernel.4.cloned.1.call-start
scs
__scs_entry_jumppad:
0x0: {  	(pc) =	sbr.rel $0x88, $3  }
0x1: {  	(tag) =	ssettag $0x0;
	lr =	simm.s32 $0x1  }
0x2: {  	[smem:$0x3F9E] =	sst lr;
	_ =	strace $0xD0000000  }
0x3: {  	_ = 	snop  }
0x4: {  	_ = 	snop  }
0x5: {  	_ = 	snop  }
0x6: {  	_ = 	snop  }
0x7: {  	_ = 	snop  }
__scs_overlays_trampoline_lowered:
0x8: {  	[smem:$0x3FAD] =	sst s0  }
0x9: {  	[smem:$0x3FAE] =	sst s1  }
0xa: {  	[smem:$0x3FAF] =	sst s2  }
0xb: {  	[smem:$0x3FB0] =	sst s3  }
0xc: {  	[smem:$0x3FB1] =	sst s4  }
0xd: {  	[smem:$0x3FB2] =	sst s5  }
0xe: {  	[smem:$0x3FB3] =	sst s6  }
0xf: {  	[smem:$0x3FB4] =	sst s7  }
0x10: {  	[smem:$0x3FB5] =	sst s8  }
0x11: {  	[smem:$0x3FB6] =	sst s9;
	s0 =	simm.s32 @!p0 $0x0  }
0x12: {  	s1 =	sld [smem:$0x3F9C];
	s0 =	simm.s32 @p0 $0x1  }
0x13: {  	[smem:$0x3FB7] =	sst s0;
	s0 =	simm.s32 @!p1 $0x0  }
0x14: {  	s2 =	sld [smem:$0x3F9B];
	s0 =	simm.s32 @p1 $0x1  }
0x15: {  	[smem:$0x3FB8] =	sst s0;
	s0 =	simm.s32 @!p2 $0x0  }
0x16: {  	s3 =	sld [smem:$0x3FDB];
	s0 =	simm.s32 @p2 $0x1  }
0x17: {  	s4 =	simm.s32 $0x1BF5;
	[smem:$0x3FBA] =	sst s0  }
0x18: {  	s0 =	sld [smem:$0x3F9D];
	_ =	swait.ge [sflag:s4], $0x0  }
0x19: {  	s7 =	sld [smem:$0x3F9E]  }
0x1a: {  	s8 =	sadd.s32 $0xFFFFE003, lr  }
0x1b: {  	s9 =	sadd.s32 $0xFFFFFEF7, lr;
	s5 =	simm.s32 $0xFFFFFFFF;
	p2 =	slt.u32 s8, $0xFFFFF086  }
0x1c: {  	p1 =	slt.u32 s9, $0xF7A;
	s5 =	simm.s32 @!p2 $0x0  }
0x1d: {  	s5 =	simm.s32 @p1 $0x1;
	p0 =	seq.s32 s7, s2  }
0x1e: {  	s7 =	smul.u32 @!p0 $0xF7A, s2;
	p2 =	seq.s32 @!p0 s5, $0x0  }
0x1f: {  	s9 =	smul.u32 $0xF7A, s1;
	s8 =	simm.s32 @!p0 $0x1BF5;
	p2 =	por !p2, p0  }
0x20: {  	[sflag:s8] =	ssyncset.s32 @!p0 $0xFFFFF086;
	s6 =	sadd.s32 @!p0 s3, s7;
	s7 =	simm.s32 @!p0 $0x108  }
0x21: {  	s3 =	sadd.s32 s3, s9;
	s6 =	sadd.s32 @!p0 $0x88, s6;
	s7 =	simm.s32 @p2 $0x1082  }
0x22: {  	[simem:s7], [sflag:s8] =	dma.local @!p0 [hbm:s6], $0xF7A  }
0x23: {  	s9 =	sor.u32 $0xD0000000, s2;
	s6 =	simm.s32 $0x108;
	_ =	swait.ge @!p0 [sflag:s8], $0x0  }
0x24: {  	s3 =	sadd.s32 $0x88, s3;
	s6 =	simm.s32 @!p1 $0x1082;
	[sflag:s4] =	ssyncset.s32 $0xFFFFF086  }
0x25: {  	[simem:s6], [sflag:s4] =	dma.local [hbm:s3], $0xF7A  }
0x26: {  	[smem:$0x3F9E] =	sst s1;
	(tag) =	ssettag s2;
	_ =	strace s9  }
0x27: {  	s1 =	sld [smem:$0x3FAE]  }
0x28: {  	s2 =	sld [smem:$0x3FAF]  }
0x29: {  	s4 =	sld [smem:$0x3FB1]  }
0x2a: {  	p0 =	seq.s32 s5, $0x0;
	s5 =	sld [smem:$0x3FB2]  }
0x2b: {  	s6 =	sld [smem:$0x3FB3]  }
0x2c: {  	s7 =	sld [smem:$0x3FB4]  }
0x2d: {  	s3 =	simm.s32 $0x108;
	s8 =	sld [smem:$0x3FB5]  }
0x2e: {  	s3 =	simm.s32 @!p0 $0x1082;
	s9 =	sld [smem:$0x3FB6]  }
0x2f: {  	lr =	sadd.s32 s0, s3;
	s0 =	sld [smem:$0x3FAD]  }
0x30: {  	s3 =	sld [smem:$0x3FB0]  }
0x31: {  	[smem:$0x3FB9] =	sst s10  }
0x32: {  	s10 =	sld [smem:$0x3FB7];
	_ =	sdelay $0x3  }
0x33: {  	p0 =	seq.s32 s10, $0x1;
	s10 =	sld [smem:$0x3FB9];
	_ =	sdelay $0x3  }
0x34: {  	[smem:$0x3FB9] =	sst s10  }
0x35: {  	s10 =	sld [smem:$0x3FB8];
	_ =	sdelay $0x3  }
0x36: {  	p1 =	seq.s32 s10, $0x1;
	s10 =	sld [smem:$0x3FB9];
	_ =	sdelay $0x3  }
0x37: {  	[smem:$0x3FB9] =	sst s10  }
0x38: {  	s10 =	sld [smem:$0x3FBA]  }
0x39: {  	_ = 	snop;
	(pc) =	sbr.ind lr, $3  }
0x3a: {  	_ = 	snop  }
0x3b: {  	_ = 	snop  }
0x3c: {  	p2 =	seq.s32 s10, $0x1;
	s10 =	sld [smem:$0x3FB9]  }
0x3d: {  	_ =	shalt  }
0x3e: {  	_ =	shalt  }
0x3f: {  	_ =	shalt  }
0x40: {  	_ =	shalt  }
0x41: {  	_ =	shalt  }
0x42: {  	_ =	shalt  }
0x43: {  	_ =	shalt  }
0x44: {  	_ =	shalt  }
0x45: {  	_ =	shalt  }
0x46: {  	_ =	shalt  }
0x47: {  	_ =	shalt  }
0x48: {  	_ =	shalt  }
0x49: {  	_ =	shalt  }
0x4a: {  	_ =	shalt  }
0x4b: {  	_ =	shalt  }
0x4c: {  	_ =	shalt  }
0x4d: {  	_ =	shalt  }
0x4e: {  	_ =	shalt  }
0x4f: {  	_ =	shalt  }
0x50: {  	_ =	shalt  }
0x51: {  	_ =	shalt  }
0x52: {  	_ =	shalt  }
0x53: {  	_ =	shalt  }
0x54: {  	_ =	shalt  }
0x55: {  	_ =	shalt  }
0x56: {  	_ =	shalt  }
0x57: {  	_ =	shalt  }
0x58: {  	_ =	shalt  }
0x59: {  	_ =	shalt  }
0x5a: {  	_ =	shalt  }
0x5b: {  	_ =	shalt  }
0x5c: {  	_ =	shalt  }
0x5d: {  	_ =	shalt  }
0x5e: {  	_ =	shalt  }
0x5f: {  	_ =	shalt  }
0x60: {  	_ =	shalt  }
0x61: {  	_ =	shalt  }
0x62: {  	_ =	shalt  }
0x63: {  	_ =	shalt  }
0x64: {  	_ =	shalt  }
0x65: {  	_ =	shalt  }
0x66: {  	_ =	shalt  }
0x67: {  	_ =	shalt  }
0x68: {  	_ =	shalt  }
0x69: {  	_ =	shalt  }
0x6a: {  	_ =	shalt  }
0x6b: {  	_ =	shalt  }
0x6c: {  	_ =	shalt  }
0x6d: {  	_ =	shalt  }
0x6e: {  	_ =	shalt  }
0x6f: {  	_ =	shalt  }
0x70: {  	_ =	shalt  }
0x71: {  	_ =	shalt  }
0x72: {  	_ =	shalt  }
0x73: {  	_ =	shalt  }
0x74: {  	_ =	shalt  }
0x75: {  	_ =	shalt  }
0x76: {  	_ =	shalt  }
0x77: {  	_ =	shalt  }
0x78: {  	_ =	shalt  }
0x79: {  	_ =	shalt  }
0x7a: {  	_ =	shalt  }
0x7b: {  	_ =	shalt  }
0x7c: {  	_ =	shalt  }
0x7d: {  	_ =	shalt  }
0x7e: {  	_ =	shalt  }
0x7f: {  	_ =	shalt  }
0x80: {  	_ =	shalt  }
0x81: {  	_ =	shalt  }
0x82: {  	_ =	shalt  }
0x83: {  	_ =	shalt  }
0x84: {  	_ =	shalt  }
0x85: {  	_ =	shalt  }
0x86: {  	_ =	shalt  }
0x87: {  	_ =	shalt  }
.Lfunc_end0:
.L_simem_size_0:
called_computation_lowered:
.L_overlay_start_0:
0x88: {  	s2 =	sld [smem:$0x3FD9]  }
0x89: {  	s3 =	sld [smem:$0x3FFE];
	_ =	sdelay $0x1  }
0x8a: {  	s1 =	srdreg.scid  }
0x8b: {  	s0 =	sand.u32 $0x1, s1  }
0x8c: {  	s17 =	sshll.u32 s0, $0xA;
	s2 =	sadd.s32 s3, s2  }
0x8d: {  	s2 =	sadd.s32 s2, s17  }
0x8e: {  	[smem:$0x3FC5] =	sst s2  }
0x8f: {  	_ = 	snop  }
0x90: {  	s2 =	sld [smem:$0x3FC7]  }
0x91: {  	s18 =	sld [smem:$0x3FD0];
	(tm) =	ssettm $0x1  }
0x92: {  	s4 =	sld [smem:$0x3FFB];
	_ =	sdelay $0x3  }
0x93: {  	_ =	strace s4  }
0x94: {  	s4 =	sld [smem:$0x3FFC];
	_ =	sdelay $0x3  }
0x95: {  	_ =	strace s4  }
0x96: {  	s4 =	sld [smem:$0x3FFD];
	_ =	sdelay $0x3  }
0x97: {  	_ =	strace s4  }
0x98: {  	_ =	strace $0x8FFFFFFF  }
0x99: {  	s19 =	sld [smem:$0x3FDB];
	_ =	sdelay $0x1  }
0x9a: {  	s5 =	simm.s32 $_scs_section_size  }
0x9b: {  	s6 =	simm.s32 $_size__tile_overlayer_lowered;
	s7 =	simm.s32 $_tile_overlayer_lowered  }
0x9c: {  	s22 =	simm.s32 $0x1BFF;
	s21 =	sshll.u32 s7, $0x1;
	s4 =	sadd.s32 s5, s19  }
0x9d: {  	s8 =	simm.s32 $0x0;
	s20 =	sshll.u32 s6, $0x1;
	s6 =	sadd.s32 s21, s4  }
0x9e: {  	[timem:s8], [sflag:s22] =	dma.local [hbm:s6], s20  }
0x9f: {  	_ =	swait.ge [sflag:s22], s20  }
0xa0: {  	s5 =	ssub.s32 $0x0, s20;
	[sflag:s22] =	ssyncset.done $0x0  }
0xa1: {  	[sflag:s22] =	ssyncadd.s32 s5;
	_ =	sdelay $0x1  }
0xa2: {  	s23 =	simm.s32 $0x1B8B  }
0xa3: {  	_ =	swait.ge [sflag:s23], $0x1  }
0xa4: {  	[sflag:s23] =	ssyncset.done $0x0  }
0xa5: {  	s25 =	simm.s32 $0x1B8E;
	s24 =	sld [smem:$0x3FFE];
	[sflag:s23] =	ssyncadd.s32 $0xFFFFFFFF  }
0xa6: {  	s26 =	simm.s32 $execute0_lowered;
	[smem:$0x3FD2] =	sst s25  }
0xa7: {  	s6 =	sshll.u32 s26, $0x1;
	_ =	strace $0x80000046;
	[dreg:$0x1] =	wrdreg $0xFFFFFFFF  }
0xa8: {  	s28 =	simm.s32 $_size_execute0_lowered;
	s4 =	sadd.s32 s4, s6;
	[dreg:$0x0] =	wrdreg $0x0  }
0xa9: {  	s6 =	sshll.u32 s28, $0x1;
	[dreg:$0x2] =	wrdreg s4  }
0xaa: {  	[dreg:$0x3] =	wrdreg s6  }
0xab: {  	[dreg:$0x4] =	wrdreg $0xC0  }
0xac: {  	_ =	task [dreg:s8], $0x5FFFF  }
0xad: {  	[dreg:$0x1] =	wrdreg $0xFFFFFFFF  }
0xae: {  	[dreg:$0x0] =	wrdreg $0x60  }
0xaf: {  	[dreg:$0x2] =	wrdreg s24  }
0xb0: {  	[dreg:$0x3] =	wrdreg s2  }
0xb1: {  	[dreg:$0x4] =	wrdreg s18  }
0xb2: {  	[dreg:$0x5] =	wrdreg $0x9  }
0xb3: {  	_ =	task.clear_ibuf [dreg:s8], $0x6FFFF;
	_ =	strace $0x90000046  }
0xb4: {  	s29 =	simm.s32 $0x9;
	_ =	strace $0x80000048  }
0xb5: {  	_ =	swait.ge [sflag:s29], $0x1  }
0xb6: {  	[sflag:s29] =	ssyncadd.s32 $0xFFFFFFFF  }
0xb7: {  	_ =	strace $0x90000048  }
0xb8: {  	_ =	sfence  }
0xb9: {  	s30 =	sld [smem:$0x0];
	_ =	sdelay $0x2  }
0xba: {  	s31 =	sshll.u32 s1, $0xD;
	s1 =	sshrl.u32 s1, $0x2  }
0xbb: {  	s3 =	sand.u32 $0x4000, s31;
	s1 =	sadd.s32 s1, s30  }
0xbc: {  	s0 =	sor.u32 s3, s0;
	s1 =	sshll.u32 s1, $0x11  }
0xbd: {  	s0 =	sor.u32 s1, s0  }
0xbe: {  	s0 =	sadd.s32 $0x8F2B, s0  }
0xbf: {  	[sflag:s0] =	ssyncadd.remote.s32 $0x1  }
0xc0: {  	_ =	sfence.sel $0xFFFF  }
0xc1: {  	[dreg:$0x0] =	wrdreg $0xFFFFFFFF;
	(pc) =	sbr.abs _section_cstart, $3  }
0xc2: {  	[dreg:$0x1] =	wrdreg $0xFFFFFFFF  }
0xc3: {  	_ =	task.clear_ibuf [dreg:s8], $0x2FFFF;
	_ =	strace $0x9FFFFFFF  }
0xc4: {  	(tm) =	ssettm $0x7FFFFFFF  }
0xc5: {  	_ =	shalt  }
tec
execute0_lowered:
.L_overlay_start_1:
0x0: {  	(tag) =	ssettag $0x1  }
0x1: {  	s4 =	rddreg [dreg:$0x0];
	s1 =	srdreg.scid  }
0x2: {  	s2 =	rddreg [dreg:$0x1];
	s0 =	stileid.u32;
	s21 =	sand.u32 $0x1, s1  }
0x3: {  	s20 =	rddreg [dreg:$0x2];
	s5 =	sshll.u32 s0, $0x3;
	s6 =	sshll.u32 s21, $0x2  }
0x4: {  	s3 =	simm.s32 $0x0;
	s1 =	rddreg [dreg:$0x3];
	s22 =	sor.u32 s6, s5  }
0x5: {  	[smem:$0x7FF] =	sst s3;
	s12 =	sadd.s32 s22, s4  }
0x6: {  	_ =	strace $0x80000047;
	s4 =	simm.s32 $0x2;
	s5 =	sadd.s32 $0x400, s12  }
0x7: {  	[tilespmem:s3], [sflag:$0x2] =	stream.linear.gather [hbm4b:s5+s3], $0x20, $0x38;
	[tilespmem:$0x280] =	vst v63  }
0x8: {  	_ =	swait.ge [sflag:s4], $0x20  }
0x9: {  	[sflag:s4] =	ssyncset.done $0x0  }
0xa: {  	s7 =	simm.s32 $0x20;
	s6 =	sadd.s32 $0x480, s12;
	[sflag:s4] =	ssyncadd.s32 $0xFFFFFFE0  }
0xb: {  	[tilespmem:s7], [sflag:$0x2] =	stream.linear.gather [hbm4b:s6+s3], $0x20, $0x38;
	[tilespmem:$0x280] =	vst v63  }
0xc: {  	_ =	swait.ge [sflag:s4], $0x20  }
0xd: {  	[sflag:s4] =	ssyncset.done $0x0  }
0xe: {  	s9 =	simm.s32 $0x40;
	s8 =	sadd.s32 $0x500, s12;
	[sflag:s4] =	ssyncadd.s32 $0xFFFFFFE0  }
0xf: {  	[tilespmem:s9], [sflag:$0x2] =	stream.linear.gather [hbm4b:s8+s3], $0x20, $0x38;
	[tilespmem:$0x280] =	vst v63  }
0x10: {  	_ =	swait.ge [sflag:s4], $0x20  }
0x11: {  	[sflag:s4] =	ssyncset.done $0x0  }
0x12: {  	s11 =	simm.s32 $0x60;
	s10 =	sadd.s32 $0x580, s12;
	[sflag:s4] =	ssyncadd.s32 $0xFFFFFFE0  }
0x13: {  	[tilespmem:s11], [sflag:$0x2] =	stream.linear.gather [hbm4b:s10+s3], $0x20, $0x38;
	[tilespmem:$0x280] =	vst v63  }
0x14: {  	_ =	swait.ge [sflag:s4], $0x20  }
0x15: {  	[sflag:s4] =	ssyncset.done $0x0  }
0x16: {  	s13 =	simm.s32 $0x80;
	s12 =	sadd.s32 $0x600, s12;
	[sflag:s4] =	ssyncadd.s32 $0xFFFFFFE0  }
0x17: {  	[tilespmem:s13], [sflag:$0x2] =	stream.linear.gather [hbm4b:s12+s3], $0x20, $0x38;
	[tilespmem:$0x280] =	vst v63  }
0x18: {  	_ =	swait.ge [sflag:s4], $0x20  }
0x19: {  	[sflag:s4] =	ssyncset.done $0x0  }
0x1a: {  	s14 =	simm.s32 $0x100;
	s15 =	simm.s32 $0x1;
	[sflag:s4] =	ssyncadd.s32 $0xFFFFFFE0  }
0x1b: {  	[tilespmem:s14], [sflag:$0x1] =	stream.indirect.gather [hbm4b:s2+s7], $0x1, s3, s7, $0xb8;
	[tilespmem:$0x280] =	vst v63  }
0x1c: {  	_ =	swait.ge [sflag:s15], $0x20  }
0x1d: {  	[sflag:s15] =	ssyncset.done $0x0  }
0x1e: {  	s16 =	simm.s32 $0x120;
	[sflag:s15] =	ssyncadd.s32 $0xFFFFFFE0  }
0x1f: {  	[tilespmem:s16], [sflag:$0x1] =	stream.indirect.gather [hbm4b:s2+s7], $0x1, s7, s7, $0xb8;
	[tilespmem:$0x280] =	vst v63  }
0x20: {  	_ =	swait.ge [sflag:s15], $0x20  }
0x21: {  	[sflag:s15] =	ssyncset.done $0x0  }
0x22: {  	s17 =	simm.s32 $0x140;
	[sflag:s15] =	ssyncadd.s32 $0xFFFFFFE0  }
0x23: {  	[tilespmem:s17], [sflag:$0x1] =	stream.indirect.gather [hbm4b:s2+s7], $0x1, s9, s7, $0xb8;
	[tilespmem:$0x280] =	vst v63  }
0x24: {  	_ =	swait.ge [sflag:s15], $0x20  }
0x25: {  	[sflag:s15] =	ssyncset.done $0x0  }
0x26: {  	s18 =	simm.s32 $0x160;
	[sflag:s15] =	ssyncadd.s32 $0xFFFFFFE0  }
0x27: {  	[tilespmem:s18], [sflag:$0x1] =	stream.indirect.gather [hbm4b:s2+s7], $0x1, s11, s7, $0xb8;
	[tilespmem:$0x280] =	vst v63  }
0x28: {  	_ =	swait.ge [sflag:s15], $0x20  }
0x29: {  	[sflag:s15] =	ssyncset.done $0x0  }
0x2a: {  	s19 =	simm.s32 $0x180;
	[sflag:s15] =	ssyncadd.s32 $0xFFFFFFE0  }
0x2b: {  	[tilespmem:s19], [sflag:$0x1] =	stream.indirect.gather [hbm4b:s2+s7], $0x1, s13, s7, $0xb8;
	[tilespmem:$0x280] =	vst v63  }
0x2c: {  	_ =	swait.ge [sflag:s15], $0x20  }
0x2d: {  	[sflag:s15] =	ssyncset.done $0x0  }
0x2e: {  	[sflag:s15] =	ssyncadd.s32 $0xFFFFFFE0  }
0x2f: {  	v0 =	vld [tilespmem:$0x100]  }
0x30: {  	v1 =	vld [tilespmem:$0x110]  }
0x31: {  	v2 =	vld [tilespmem:$0x120]  }
0x32: {  	v3 =	vld [tilespmem:$0x130]  }
0x33: {  	v4 =	vld [tilespmem:$0x140]  }
0x34: {  	v5 =	vld [tilespmem:$0x150];
	v0 =	vadd.f32 $0.0e+00, v0  }
0x35: {  	v6 =	vld [tilespmem:$0x160];
	v1 =	vadd.f32 $0.0e+00, v1  }
0x36: {  	v7 =	vld [tilespmem:$0x170];
	v0 =	vadd.f32 v2, v0  }
0x37: {  	v62 =	vld [tilespmem:$0x180];
	v1 =	vadd.f32 v3, v1  }
0x38: {  	v63 =	vld [tilespmem:$0x190];
	v0 =	vadd.f32 v4, v0  }
0x39: {  	s21 =	ssub.s32 $0x2, s21;
	v1 =	vadd.f32 v5, v1  }
0x3a: {  	s23 =	sshrl.u32 s21, $0x1;
	v0 =	vadd.f32 v6, v0  }
0x3b: {  	s21 =	ssub.s32 s21, s23;
	v1 =	vadd.f32 v7, v1  }
0x3c: {  	s31 =	smax.u32 s21, $0x1;
	v0 =	vadd.f32 v62, v0  }
0x3d: {  	p0 =	sne.s32 s31, $0x1;
	v1 =	vadd.f32 v63, v1  }
.Ltmp0:
0x3e: {  	v0 =	vmul.f32 $2.000000030e-01, v0;
	(pc) =	sbr.rel @!p0 .LBB2_2-.Ltmp0, $4  }
0x3f: {  	v1 =	vmul.f32 $2.000000030e-01, v1  }
0x40: {  	[tilespmem:$0x200] =	vst v0  }
0x41: {  	s20 =	sadd.s32 s20, s22;
	s21 =	simm.s32 $0x200;
	s22 =	sadd.s32 $0xFFFFFFFF, s31;
	[tilespmem:$0x210] =	vst v1  }
0x42: {  	[hbm4b:s20+s3] =	stream.linear.scatter [tilespmem:s21], [sflag:$0x2], $0x20, $0x38;
	[tilespmem:$0x280] =	vst v63  }
.LBB2_1:
0x43: {  	p0 =	sne.s32 s22, $0x1;
	s22 =	sadd.s32 $0xFFFFFFFF, s22;
	_ =	swait.ge [sflag:s4], $0x20  }
0x44: {  	[sflag:s4] =	ssyncset.done $0x0  }
0x45: {  	[sflag:s4] =	ssyncadd.s32 $0xFFFFFFE0  }
0x46: {  	[tilespmem:s3], [sflag:$0x2] =	stream.linear.gather [hbm4b:s5+s3], $0x20, $0x38;
	[tilespmem:$0x280] =	vst v63  }
0x47: {  	_ =	swait.ge [sflag:s4], $0x20  }
0x48: {  	[sflag:s4] =	ssyncset.done $0x0  }
0x49: {  	[sflag:s4] =	ssyncadd.s32 $0xFFFFFFE0  }
0x4a: {  	[tilespmem:s7], [sflag:$0x2] =	stream.linear.gather [hbm4b:s6+s3], $0x20, $0x38;
	[tilespmem:$0x280] =	vst v63  }
0x4b: {  	_ =	swait.ge [sflag:s4], $0x20  }
0x4c: {  	[sflag:s4] =	ssyncset.done $0x0  }
0x4d: {  	[sflag:s4] =	ssyncadd.s32 $0xFFFFFFE0  }
0x4e: {  	[tilespmem:s9], [sflag:$0x2] =	stream.linear.gather [hbm4b:s8+s3], $0x20, $0x38;
	[tilespmem:$0x280] =	vst v63  }
0x4f: {  	_ =	swait.ge [sflag:s4], $0x20  }
0x50: {  	[sflag:s4] =	ssyncset.done $0x0  }
0x51: {  	[sflag:s4] =	ssyncadd.s32 $0xFFFFFFE0  }
0x52: {  	[tilespmem:s11], [sflag:$0x2] =	stream.linear.gather [hbm4b:s10+s3], $0x20, $0x38;
	[tilespmem:$0x280] =	vst v63  }
0x53: {  	_ =	swait.ge [sflag:s4], $0x20  }
0x54: {  	[sflag:s4] =	ssyncset.done $0x0  }
0x55: {  	[sflag:s4] =	ssyncadd.s32 $0xFFFFFFE0  }
0x56: {  	[tilespmem:s13], [sflag:$0x2] =	stream.linear.gather [hbm4b:s12+s3], $0x20, $0x38;
	[tilespmem:$0x280] =	vst v63  }
0x57: {  	_ =	swait.ge [sflag:s4], $0x20  }
0x58: {  	[sflag:s4] =	ssyncset.done $0x0  }
0x59: {  	[sflag:s4] =	ssyncadd.s32 $0xFFFFFFE0  }
0x5a: {  	[tilespmem:s14], [sflag:$0x1] =	stream.indirect.gather [hbm4b:s2+s7], $0x1, s3, s7, $0xb8;
	[tilespmem:$0x280] =	vst v63  }
0x5b: {  	_ =	swait.ge [sflag:s15], $0x20  }
0x5c: {  	[sflag:s15] =	ssyncset.done $0x0  }
0x5d: {  	[sflag:s15] =	ssyncadd.s32 $0xFFFFFFE0  }
0x5e: {  	[tilespmem:s16], [sflag:$0x1] =	stream.indirect.gather [hbm4b:s2+s7], $0x1, s7, s7, $0xb8;
	[tilespmem:$0x280] =	vst v63  }
0x5f: {  	_ =	swait.ge [sflag:s15], $0x20  }
0x60: {  	[sflag:s15] =	ssyncset.done $0x0  }
0x61: {  	[sflag:s15] =	ssyncadd.s32 $0xFFFFFFE0  }
0x62: {  	[tilespmem:s17], [sflag:$0x1] =	stream.indirect.gather [hbm4b:s2+s7], $0x1, s9, s7, $0xb8;
	[tilespmem:$0x280] =	vst v63  }
0x63: {  	_ =	swait.ge [sflag:s15], $0x20  }
0x64: {  	[sflag:s15] =	ssyncset.done $0x0  }
0x65: {  	[sflag:s15] =	ssyncadd.s32 $0xFFFFFFE0  }
0x66: {  	[tilespmem:s18], [sflag:$0x1] =	stream.indirect.gather [hbm4b:s2+s7], $0x1, s11, s7, $0xb8;
	[tilespmem:$0x280] =	vst v63  }
0x67: {  	_ =	swait.ge [sflag:s15], $0x20  }
0x68: {  	[sflag:s15] =	ssyncset.done $0x0  }
0x69: {  	[sflag:s15] =	ssyncadd.s32 $0xFFFFFFE0  }
0x6a: {  	[tilespmem:s19], [sflag:$0x1] =	stream.indirect.gather [hbm4b:s2+s7], $0x1, s13, s7, $0xb8;
	[tilespmem:$0x280] =	vst v63  }
0x6b: {  	_ =	swait.ge [sflag:s15], $0x20  }
0x6c: {  	[sflag:s15] =	ssyncset.done $0x0  }
0x6d: {  	[sflag:s15] =	ssyncadd.s32 $0xFFFFFFE0  }
0x6e: {  	v0 =	vld [tilespmem:$0x130]  }
0x6f: {  	v1 =	vld [tilespmem:$0x100]  }
0x70: {  	v2 =	vld [tilespmem:$0x110]  }
0x71: {  	v3 =	vld [tilespmem:$0x120]  }
0x72: {  	v4 =	vld [tilespmem:$0x150]  }
0x73: {  	v5 =	vld [tilespmem:$0x140]  }
0x74: {  	v1 =	vadd.f32 $0.0e+00, v1;
	v6 =	vld [tilespmem:$0x170]  }
0x75: {  	v7 =	vld [tilespmem:$0x160];
	v2 =	vadd.f32 $0.0e+00, v2  }
0x76: {  	v1 =	vadd.f32 v3, v1;
	v3 =	vld [tilespmem:$0x190]  }
0x77: {  	v8 =	vld [tilespmem:$0x180];
	v0 =	vadd.f32 v0, v2  }
0x78: {  	v1 =	vadd.f32 v5, v1  }
0x79: {  	v0 =	vadd.f32 v4, v0  }
0x7a: {  	v1 =	vadd.f32 v7, v1  }
0x7b: {  	v0 =	vadd.f32 v6, v0  }
0x7c: {  	v1 =	vadd.f32 v8, v1  }
0x7d: {  	v0 =	vadd.f32 v3, v0  }
.Ltmp1:
0x7e: {  	v1 =	vmul.f32 $2.000000030e-01, v1;
	(pc) =	sbr.rel @p0 .LBB2_1-.Ltmp1, $4  }
0x7f: {  	v0 =	vmul.f32 $2.000000030e-01, v0  }
0x80: {  	[tilespmem:$0x200] =	vst v1  }
0x81: {  	[tilespmem:$0x210] =	vst v0  }
0x82: {  	[hbm4b:s20+s3] =	stream.linear.scatter [tilespmem:s21], [sflag:$0x2], $0x20, $0x38;
	[tilespmem:$0x280] =	vst v63  }
.LBB2_2:
0x83: {  	_ =	swait.ge [sflag:s4], $0x20  }
0x84: {  	[sflag:s4] =	ssyncset.done $0x0  }
0x85: {  	[sflag:s4] =	ssyncadd.s32 $0xFFFFFFE0  }
0x86: {  	_ =	sfence.sel $0x180000  }
0x87: {  	[bflag:$0x0] =	sbarrier.arrive $0xFFFF  }
0x88: {  	p0 =	sne.s32 s0, $0x0;
	_ =	strace $0x90000047  }
0x89: {  	s0 =	sadd.s32 @!p0 $0x100000, s1;
	[bflag:$0x2] =	sbarrier.arrive $0xFFFF  }
0x8a: {  	[sflag:s0] =	ssyncadd.tile.s32 @!p0 $0x1;
	_ =	shalt  }
.Lfunc_end2:
_tile_overlayer_lowered:
.L_overlay_start_2:
0x8b: {  	(tag) =	ssettag $0x2  }
0x8c: {  	s0 =	rddreg [dreg:$0x0];
	s2 =	stileid.u32  }
0x8d: {  	s1 =	rddreg [dreg:$0x1];
	p0 =	sne.s32 s2, $0x0  }
0x8e: {  	s3 =	rddreg [dreg:$0x2];
	[bflag:$0x3] =	sbarrier.arrive $0xFFFF;
	s2 =	simm.s32 @!p0 $0x1C02  }
0x8f: {  	[timem:s3], [sflag:s2] =	dma.local @!p0 [hbm:s0], s1  }
0x90: {  	s0 =	simm.s32 @!p0 $0x2  }
0x91: {  	_ =	swait.ge @!p0 [sflag:s0], s1  }
0x92: {  	s1 =	ssub.s32 @!p0 $0x0, s1;
	[sflag:s0] =	ssyncset.done @!p0 $0x0  }
0x93: {  	[sflag:s0] =	ssyncadd.s32 @!p0 s1  }
0x94: {  	[bflag:$0x3] =	sbarrier.arrive $0xFFFF  }
0x95: {  	_ =	shalt  }

</sc_bundles>
